<compile_context>
chip_gen: v7x
topology: tpu7x:2x2x1
jax: 0.10.2.dev20260603
libtpu: 0.0.44.dev20260713+nightly
codegen_flags: <defaults>
</compile_context>

<pallas_src>
import functools

import jax
import jax.numpy as jnp
from jax import lax
from jax.experimental import pallas as pl
from jax.experimental.pallas import tpu as pltpu
from jax.experimental.pallas import tpu_sc as plsc

N = 10000
D = 128
D_OUT = 64
E = 320000

NC = 2
NS = 16
NW = NC * NS
CHUNK = 125
CHUNKS = 80
GROUP = 40
N_PAD = 10240
ROWS_PER_TILE = N_PAD // NS
TAIL_ROWS = N - (NS - 1) * ROWS_PER_TILE


def _sc_scatter_build():
    mesh = plsc.VectorSubcoreMesh(core_axis_name="c", subcore_axis_name="s")

    @functools.partial(
        pl.kernel,
        mesh=mesh,
        out_type=jax.ShapeDtypeStruct((NC, N_PAD, D), jnp.float32),
        scratch_types=[
            pltpu.VMEM((GROUP, CHUNK), jnp.int32),
            pltpu.VMEM((GROUP, CHUNK), jnp.int32),
            pltpu.VMEM((CHUNK, D), jnp.float32),
            pltpu.VMEM((CHUNK, D), jnp.float32),
            pltpu.VMEM_SHARED((N_PAD, D), jnp.float32),
            pltpu.SemaphoreType.DMA,
            pltpu.SemaphoreType.DMA,
        ],
    )
    def sc_scatter(src_hbm, dst_hbm, x_hbm, out_hbm,
                   src_v, dst_v, rows_0, rows_1, acc_sh, sem_0, sem_1):
        c = lax.axis_index("c")
        s = lax.axis_index("s")
        w = c * NS + s

        rows = (rows_0, rows_1)
        gsems = (sem_0, sem_1)

        pltpu.sync_copy(src_hbm.at[w, pl.ds(0, GROUP)], src_v)
        pltpu.sync_copy(dst_hbm.at[w, pl.ds(0, GROUP)], dst_v)
        for b in range(2):
            pltpu.async_copy(x_hbm.at[src_v.at[b]], rows[b], gsems[b])

        @pl.when(s < NS - 1)
        def _():
            pltpu.sync_copy(x_hbm.at[pl.ds(s * ROWS_PER_TILE, ROWS_PER_TILE)],
                            acc_sh.at[pl.ds(s * ROWS_PER_TILE, ROWS_PER_TILE)])

        @pl.when(s == NS - 1)
        def _():
            pltpu.sync_copy(x_hbm.at[pl.ds(N - TAIL_ROWS, TAIL_ROWS)],
                            acc_sh.at[pl.ds(N - TAIL_ROWS, TAIL_ROWS)])

        plsc.subcore_barrier()

        for h in range(CHUNKS // GROUP):
            if h > 0:
                pltpu.sync_copy(src_hbm.at[w, pl.ds(h * GROUP, GROUP)], src_v)
                pltpu.sync_copy(dst_hbm.at[w, pl.ds(h * GROUP, GROUP)], dst_v)

                for b in range(2):
                    pltpu.async_copy(x_hbm.at[src_v.at[b]], rows[b], gsems[b])

            def body2(jj, carry):
                j0 = jj * 2
                for b in range(2):
                    j = j0 + b
                    pltpu.make_async_copy(x_hbm.at[src_v.at[j]], rows[b],
                                          gsems[b]).wait()
                    pltpu.sync_copy(rows[b], acc_sh.at[dst_v.at[j]], add=True)

                    @pl.when(j + 2 < GROUP)
                    def _():
                        pltpu.async_copy(x_hbm.at[src_v.at[j + 2]], rows[b],
                                         gsems[b])

                return carry

            lax.fori_loop(0, GROUP // 2, body2, 0)

        plsc.subcore_barrier()

        pltpu.sync_copy(acc_sh.at[pl.ds(s * ROWS_PER_TILE, ROWS_PER_TILE)],
                        out_hbm.at[c, pl.ds(s * ROWS_PER_TILE, ROWS_PER_TILE)])

    return sc_scatter


_sc_scatter = _sc_scatter_build()


def _mlp_mid_body(x_ref, p_ref, wa_ref, ba_ref, wb_ref, bb_ref, o_ref):
    t = p_ref[0] + p_ref[1] - x_ref[...]
    u = jnp.maximum(
        jnp.dot(t, wa_ref[...], preferred_element_type=jnp.float32)
        + ba_ref[...], 0.0)
    v = jnp.dot(u, wb_ref[...], preferred_element_type=jnp.float32) + bb_ref[...]
    o_ref[...] = jnp.maximum(v, 0.0)


def _mlp_last_body(x_ref, p_ref, wa_ref, ba_ref, wb_ref, bb_ref,
                   w3_ref, b3_ref, o_ref):
    t = p_ref[0] + p_ref[1] - x_ref[...]
    u = jnp.maximum(
        jnp.dot(t, wa_ref[...], preferred_element_type=jnp.float32)
        + ba_ref[...], 0.0)
    v = jnp.dot(u, wb_ref[...], preferred_element_type=jnp.float32) + bb_ref[...]
    h = jnp.maximum(v, 0.0)
    o_ref[...] = (jnp.dot(h, w3_ref[...], preferred_element_type=jnp.float32)
                  + b3_ref[...])


_RB = 2560


def _tc_mlp_mid(x, p, wa, ba, wb, bb):
    grid = (N // _RB + 1,)
    return pl.pallas_call(
        _mlp_mid_body,
        grid=grid,
        in_specs=[
            pl.BlockSpec((_RB, D), lambda i: (i, 0)),
            pl.BlockSpec((NC, _RB, D), lambda i: (0, i, 0)),
            pl.BlockSpec((D, D), lambda i: (0, 0)),
            pl.BlockSpec((1, D), lambda i: (0, 0)),
            pl.BlockSpec((D, D), lambda i: (0, 0)),
            pl.BlockSpec((1, D), lambda i: (0, 0)),
        ],
        out_specs=pl.BlockSpec((_RB, D), lambda i: (i, 0)),
        out_shape=jax.ShapeDtypeStruct((N, D), jnp.float32),
    )(x, p, wa, ba, wb, bb)


def _tc_mlp_last(x, p, wa, ba, wb, bb, w3, b3):
    grid = (N // _RB + 1,)
    return pl.pallas_call(
        _mlp_last_body,
        grid=grid,
        in_specs=[
            pl.BlockSpec((_RB, D), lambda i: (i, 0)),
            pl.BlockSpec((NC, _RB, D), lambda i: (0, i, 0)),
            pl.BlockSpec((D, D), lambda i: (0, 0)),
            pl.BlockSpec((1, D), lambda i: (0, 0)),
            pl.BlockSpec((D, D), lambda i: (0, 0)),
            pl.BlockSpec((1, D), lambda i: (0, 0)),
            pl.BlockSpec((D, D_OUT), lambda i: (0, 0)),
            pl.BlockSpec((1, D_OUT), lambda i: (0, 0)),
        ],
        out_specs=pl.BlockSpec((_RB, D_OUT), lambda i: (i, 0)),
        out_shape=jax.ShapeDtypeStruct((N, D_OUT), jnp.float32),
    )(x, p, wa, ba, wb, bb, w3, b3)


def kernel(x, edge_index, W1a, b1a, W1b, b1b, W2a, b2a, W2b, b2b, W3, b3):
    src = edge_index[0].astype(jnp.int32)
    dst = edge_index[1].astype(jnp.int32)
    src_r = src.reshape(NW, CHUNKS, CHUNK)
    dst_r = dst.reshape(NW, CHUNKS, CHUNK)

    b1a2 = b1a.reshape(1, D)
    b1b2 = b1b.reshape(1, D)
    b2a2 = b2a.reshape(1, D)
    b2b2 = b2b.reshape(1, D)
    b32 = b3.reshape(1, D_OUT)

    p1 = _sc_scatter(src_r, dst_r, x)
    h1 = _tc_mlp_mid(x, p1, W1a, b1a2, W1b, b1b2)
    p2 = _sc_scatter(src_r, dst_r, h1)
    out = _tc_mlp_last(h1, p2, W2a, b2a2, W2b, b2b2, W3, b32)
    return out

# --- scband reference (transcript-rebuilt; emitter-appended) ---
"""Pipeline reference for scband-ginmodel-75995151336046 (READ-ONLY COPY).

The authoritative reference and input builder live on the scoring server;
editing this copy changes nothing except your own understanding.
"""

import jax, jax.numpy as jnp
import numpy as np

N = 10000
E = 320000
D_IN = 128
D_HID = 128
D_OUT = 64

def setup_inputs(seed: int = 0) -> dict:
    key = jax.random.key(seed)
    ks = jax.random.split(key, 12)
    x = jax.random.normal(ks[0], (N, D_IN), dtype=jnp.float32)
    edge_index = jax.random.randint(ks[1], (2, E), 0, N, dtype=jnp.int64)
    W1a = jax.random.normal(ks[2], (D_IN, D_HID), dtype=jnp.float32) * 0.05
    b1a = jnp.zeros((D_HID,), dtype=jnp.float32)
    W1b = jax.random.normal(ks[3], (D_HID, D_HID), dtype=jnp.float32) * 0.05
    b1b = jnp.zeros((D_HID,), dtype=jnp.float32)
    W2a = jax.random.normal(ks[4], (D_HID, D_HID), dtype=jnp.float32) * 0.05
    b2a = jnp.zeros((D_HID,), dtype=jnp.float32)
    W2b = jax.random.normal(ks[5], (D_HID, D_HID), dtype=jnp.float32) * 0.05
    b2b = jnp.zeros((D_HID,), dtype=jnp.float32)
    W3 = jax.random.normal(ks[6], (D_HID, D_OUT), dtype=jnp.float32) * 0.05
    b3 = jnp.zeros((D_OUT,), dtype=jnp.float32)
    return {"x": x, "edge_index": edge_index, "W1a": W1a, "b1a": b1a, "W1b": W1b, "b1b": b1b, "W2a": W2a, "b2a": b2a, "W2b": W2b, "b2b": b2b, "W3": W3, "b3": b3}

def _gin_conv(x, src, dst, Wa, ba, Wb, bb):
    # GINConv with eps=0: mlp((1+eps)*x + sum_{j in N(i)} x_j)
    msg = jnp.take(x, src, axis=0)
    agg = jax.ops.segment_sum(msg, dst, num_segments=x.shape[0])
    h = x + agg
    h = jnp.maximum(h @ Wa + ba, 0.0)
    return h @ Wb + bb

def reference(x, edge_index, W1a, b1a, W1b, b1b, W2a, b2a, W2b, b2b, W3, b3):
    src = edge_index[0]
    dst = edge_index[1]
    h = _gin_conv(x, src, dst, W1a, b1a, W1b, b1b)
    h = jnp.maximum(h, 0.0)  # relu; dropout is identity in eval mode
    h = _gin_conv(h, src, dst, W2a, b2a, W2b, b2b)
    h = jnp.maximum(h, 0.0)
    return h @ W3 + b3

if __name__ == "__main__":
    import jax
    _d = setup_inputs()
    print(jax.jit(kernel)(*tuple(_d.values())))

</pallas_src>

<mosaic_0001>
#map = affine_map<(d0, d1) -> (0, 0, 0)>
#map1 = affine_map<(d0, d1) -> (0, 0)>
module attributes {stable_mosaic.version = 14 : i64} {
  func.func @sc_scatter(%arg0: i32, %arg1: i32, %arg2: memref<32x80x125xi32, #tpu.memory_space<hbm>>, %arg3: memref<32x80x125xi32, #tpu.memory_space<hbm>>, %arg4: memref<10000x128xf32, #tpu.memory_space<hbm>>, %arg5: memref<2x10240x128xf32, #tpu.memory_space<hbm>>, %arg6: memref<40x125xi32, #tpu.memory_space<vmem>>, %arg7: memref<40x125xi32, #tpu.memory_space<vmem>>, %arg8: memref<125x128xf32, #tpu.memory_space<vmem>>, %arg9: memref<125x128xf32, #tpu.memory_space<vmem>>, %arg10: memref<10240x128xf32, #tpu.memory_space<vmem_shared>>, %arg11: memref<!tpu.dma_semaphore, #tpu.memory_space<semaphore_mem>>, %arg12: memref<!tpu.dma_semaphore, #tpu.memory_space<semaphore_mem>>) attributes {dimension_semantics = [#tpu.dimension_semantics<core_parallel>, #tpu.dimension_semantics<subcore_parallel>], iteration_bounds = array<i64: 2, 16>, scalar_prefetch = 0 : i64, scratch_operands = 7 : i64, tpu.core_type = #tpu.core_type<sc_vector_subcore>, window_params = [{transform_indices = #map}, {transform_indices = #map}, {transform_indices = #map1}, {transform_indices = #map}]} {
    %mul3A = arith.constant 16 : i32
    %mul3A_0 = arith.muli %arg0, %mul3A : i32
    %add3A = arith.addi %mul3A_0, %arg1 : i32
    "tpu.region"() ({
      %run_scoped3A = tpu.sem_alloc : memref<!tpu.dma_semaphore, #tpu.memory_space<semaphore_mem>>
      %dma_start3A_50 = arith.constant 0 : i32
      %dma_start3A_51 = arith.constant 0 : i32
      %dma_start3A_52 = tpu.memref_slice %arg2[%add3A, %dma_start3A_50, %dma_start3A_51] : memref<32x80x125xi32, #tpu.memory_space<hbm>> -> memref<1x40x125xi32, #tpu.memory_space<hbm>>
      %dma_start3A_53 = tpu.memref_squeeze %dma_start3A_52 : memref<1x40x125xi32, #tpu.memory_space<hbm>> -> memref<40x125xi32, #tpu.memory_space<hbm>>
      %dma_start3A_54 = arith.constant 0 : i32
      %dma_start3A_55 = arith.constant 0 : i32
      %dma_start3A_56 = tpu.memref_slice %arg2[%add3A, %dma_start3A_54, %dma_start3A_55] : memref<32x80x125xi32, #tpu.memory_space<hbm>> -> memref<1x40x125xi32, #tpu.memory_space<hbm>>
      %dma_start3A_57 = tpu.memref_squeeze %dma_start3A_56 : memref<1x40x125xi32, #tpu.memory_space<hbm>> -> memref<40x125xi32, #tpu.memory_space<hbm>>
      tpu.enqueue_dma source(%dma_start3A_57 : memref<40x125xi32, #tpu.memory_space<hbm>>) target(%arg6 : memref<40x125xi32, #tpu.memory_space<vmem>>) target_semaphore(%run_scoped3A : memref<!tpu.dma_semaphore, #tpu.memory_space<semaphore_mem>>)
      %dma_wait3A = arith.constant 0 : i32
      %dma_wait3A_58 = arith.constant 0 : i32
      %dma_wait3A_59 = tpu.memref_slice %arg2[%add3A, %dma_wait3A, %dma_wait3A_58] : memref<32x80x125xi32, #tpu.memory_space<hbm>> -> memref<1x40x125xi32, #tpu.memory_space<hbm>>
      %dma_wait3A_60 = tpu.memref_squeeze %dma_wait3A_59 : memref<1x40x125xi32, #tpu.memory_space<hbm>> -> memref<40x125xi32, #tpu.memory_space<hbm>>
      %dma_wait3A_61 = arith.constant 0 : i32
      %dma_wait3A_62 = arith.constant 0 : i32
      %dma_wait3A_63 = tpu.memref_slice %arg2[%add3A, %dma_wait3A_61, %dma_wait3A_62] : memref<32x80x125xi32, #tpu.memory_space<hbm>> -> memref<1x40x125xi32, #tpu.memory_space<hbm>>
      %dma_wait3A_64 = tpu.memref_squeeze %dma_wait3A_63 : memref<1x40x125xi32, #tpu.memory_space<hbm>> -> memref<40x125xi32, #tpu.memory_space<hbm>>
      tpu.wait_dma2 semaphore(%run_scoped3A : memref<!tpu.dma_semaphore, #tpu.memory_space<semaphore_mem>>) src(%dma_wait3A_64 : memref<40x125xi32, #tpu.memory_space<hbm>>) dst(%arg6 : memref<40x125xi32, #tpu.memory_space<vmem>>)
      tpu.yield
    }) : () -> ()
    "tpu.region"() ({
      %run_scoped3A = tpu.sem_alloc : memref<!tpu.dma_semaphore, #tpu.memory_space<semaphore_mem>>
      %dma_start3A_50 = arith.constant 0 : i32
      %dma_start3A_51 = arith.constant 0 : i32
      %dma_start3A_52 = tpu.memref_slice %arg3[%add3A, %dma_start3A_50, %dma_start3A_51] : memref<32x80x125xi32, #tpu.memory_space<hbm>> -> memref<1x40x125xi32, #tpu.memory_space<hbm>>
      %dma_start3A_53 = tpu.memref_squeeze %dma_start3A_52 : memref<1x40x125xi32, #tpu.memory_space<hbm>> -> memref<40x125xi32, #tpu.memory_space<hbm>>
      %dma_start3A_54 = arith.constant 0 : i32
      %dma_start3A_55 = arith.constant 0 : i32
      %dma_start3A_56 = tpu.memref_slice %arg3[%add3A, %dma_start3A_54, %dma_start3A_55] : memref<32x80x125xi32, #tpu.memory_space<hbm>> -> memref<1x40x125xi32, #tpu.memory_space<hbm>>
      %dma_start3A_57 = tpu.memref_squeeze %dma_start3A_56 : memref<1x40x125xi32, #tpu.memory_space<hbm>> -> memref<40x125xi32, #tpu.memory_space<hbm>>
      tpu.enqueue_dma source(%dma_start3A_57 : memref<40x125xi32, #tpu.memory_space<hbm>>) target(%arg7 : memref<40x125xi32, #tpu.memory_space<vmem>>) target_semaphore(%run_scoped3A : memref<!tpu.dma_semaphore, #tpu.memory_space<semaphore_mem>>)
      %dma_wait3A = arith.constant 0 : i32
      %dma_wait3A_58 = arith.constant 0 : i32
      %dma_wait3A_59 = tpu.memref_slice %arg3[%add3A, %dma_wait3A, %dma_wait3A_58] : memref<32x80x125xi32, #tpu.memory_space<hbm>> -> memref<1x40x125xi32, #tpu.memory_space<hbm>>
      %dma_wait3A_60 = tpu.memref_squeeze %dma_wait3A_59 : memref<1x40x125xi32, #tpu.memory_space<hbm>> -> memref<40x125xi32, #tpu.memory_space<hbm>>
      %dma_wait3A_61 = arith.constant 0 : i32
      %dma_wait3A_62 = arith.constant 0 : i32
      %dma_wait3A_63 = tpu.memref_slice %arg3[%add3A, %dma_wait3A_61, %dma_wait3A_62] : memref<32x80x125xi32, #tpu.memory_space<hbm>> -> memref<1x40x125xi32, #tpu.memory_space<hbm>>
      %dma_wait3A_64 = tpu.memref_squeeze %dma_wait3A_63 : memref<1x40x125xi32, #tpu.memory_space<hbm>> -> memref<40x125xi32, #tpu.memory_space<hbm>>
      tpu.wait_dma2 semaphore(%run_scoped3A : memref<!tpu.dma_semaphore, #tpu.memory_space<semaphore_mem>>) src(%dma_wait3A_64 : memref<40x125xi32, #tpu.memory_space<hbm>>) dst(%arg7 : memref<40x125xi32, #tpu.memory_space<vmem>>)
      tpu.yield
    }) : () -> ()
    %dma_start3A = arith.constant 0 : i32
    %dma_start3A_1 = arith.constant 0 : i32
    %dma_start3A_2 = tpu.memref_slice %arg6[%dma_start3A, %dma_start3A_1] : memref<40x125xi32, #tpu.memory_space<vmem>> -> memref<1x125xi32, #tpu.memory_space<vmem>>
    %dma_start3A_3 = tpu.memref_squeeze %dma_start3A_2 : memref<1x125xi32, #tpu.memory_space<vmem>> -> memref<125xi32, #tpu.memory_space<vmem>>
    %dma_start3A_4 = arith.constant 0 : i32
    %dma_start3A_5 = arith.constant 0 : i32
    %dma_start3A_6 = tpu.memref_slice %arg4[%dma_start3A_4, %dma_start3A_5] : memref<10000x128xf32, #tpu.memory_space<hbm>> -> memref<10000x128xf32, #tpu.memory_space<hbm>>
    tpu.enqueue_indirect_dma source(%dma_start3A_6 : memref<10000x128xf32, #tpu.memory_space<hbm>>) target(%arg8 : memref<125x128xf32, #tpu.memory_space<vmem>>) offsets(%dma_start3A_3 : memref<125xi32, #tpu.memory_space<vmem>>) semaphore(%arg11 : memref<!tpu.dma_semaphore, #tpu.memory_space<semaphore_mem>>)
    %dma_start3A_7 = arith.constant 1 : i32
    %dma_start3A_8 = arith.constant 0 : i32
    %dma_start3A_9 = tpu.memref_slice %arg6[%dma_start3A_7, %dma_start3A_8] : memref<40x125xi32, #tpu.memory_space<vmem>> -> memref<1x125xi32, #tpu.memory_space<vmem>>
    %dma_start3A_10 = tpu.memref_squeeze %dma_start3A_9 : memref<1x125xi32, #tpu.memory_space<vmem>> -> memref<125xi32, #tpu.memory_space<vmem>>
    %dma_start3A_11 = arith.constant 0 : i32
    %dma_start3A_12 = arith.constant 0 : i32
    %dma_start3A_13 = tpu.memref_slice %arg4[%dma_start3A_11, %dma_start3A_12] : memref<10000x128xf32, #tpu.memory_space<hbm>> -> memref<10000x128xf32, #tpu.memory_space<hbm>>
    tpu.enqueue_indirect_dma source(%dma_start3A_13 : memref<10000x128xf32, #tpu.memory_space<hbm>>) target(%arg9 : memref<125x128xf32, #tpu.memory_space<vmem>>) offsets(%dma_start3A_10 : memref<125xi32, #tpu.memory_space<vmem>>) semaphore(%arg12 : memref<!tpu.dma_semaphore, #tpu.memory_space<semaphore_mem>>)
    %lt3A = arith.constant 15 : i32
    %lt3A_14 = arith.cmpi slt, %arg1, %lt3A : i32
    %convert_element_type3A = arith.extui %lt3A_14 : i1 to i32
    %cond3A = arith.constant 0 : i32
    %cond3A_15 = arith.cmpi ne, %convert_element_type3A, %cond3A : i32
    scf.if %cond3A_15 {
      %mul3A_50 = arith.constant 640 : i32
      %mul3A_51 = arith.muli %arg1, %mul3A_50 : i32
      %mul3A_52 = arith.constant 640 : i32
      %mul3A_53 = arith.muli %arg1, %mul3A_52 : i32
      "tpu.region"() ({
        %run_scoped3A = tpu.sem_alloc : memref<!tpu.dma_semaphore, #tpu.memory_space<semaphore_mem>>
        %dma_start3A_54 = arith.constant 0 : i32
        %dma_start3A_55 = tpu.memref_slice %arg10[%mul3A_53, %dma_start3A_54] : memref<10240x128xf32, #tpu.memory_space<vmem_shared>> -> memref<640x128xf32, #tpu.memory_space<vmem_shared>>
        %dma_start3A_56 = arith.constant 0 : i32
        %dma_start3A_57 = tpu.memref_slice %arg4[%mul3A_51, %dma_start3A_56] : memref<10000x128xf32, #tpu.memory_space<hbm>> -> memref<640x128xf32, #tpu.memory_space<hbm>>
        tpu.enqueue_dma source(%dma_start3A_57 : memref<640x128xf32, #tpu.memory_space<hbm>>) target(%dma_start3A_55 : memref<640x128xf32, #tpu.memory_space<vmem_shared>>) target_semaphore(%run_scoped3A : memref<!tpu.dma_semaphore, #tpu.memory_space<semaphore_mem>>)
        %dma_wait3A = arith.constant 0 : i32
        %dma_wait3A_58 = tpu.memref_slice %arg10[%mul3A_53, %dma_wait3A] : memref<10240x128xf32, #tpu.memory_space<vmem_shared>> -> memref<640x128xf32, #tpu.memory_space<vmem_shared>>
        %dma_wait3A_59 = arith.constant 0 : i32
        %dma_wait3A_60 = tpu.memref_slice %arg4[%mul3A_51, %dma_wait3A_59] : memref<10000x128xf32, #tpu.memory_space<hbm>> -> memref<640x128xf32, #tpu.memory_space<hbm>>
        tpu.wait_dma2 semaphore(%run_scoped3A : memref<!tpu.dma_semaphore, #tpu.memory_space<semaphore_mem>>) src(%dma_wait3A_60 : memref<640x128xf32, #tpu.memory_space<hbm>>) dst(%dma_wait3A_58 : memref<640x128xf32, #tpu.memory_space<vmem_shared>>)
        tpu.yield
      }) : () -> ()
    } else {
    }
    %eq3A = arith.constant 15 : i32
    %eq3A_16 = arith.cmpi eq, %arg1, %eq3A : i32
    %convert_element_type3A_17 = arith.extui %eq3A_16 : i1 to i32
    %cond3A_18 = arith.constant 0 : i32
    %cond3A_19 = arith.cmpi ne, %convert_element_type3A_17, %cond3A_18 : i32
    scf.if %cond3A_19 {
      "tpu.region"() ({
        %run_scoped3A = tpu.sem_alloc : memref<!tpu.dma_semaphore, #tpu.memory_space<semaphore_mem>>
        %dma_start3A_50 = arith.constant 9600 : i32
        %dma_start3A_51 = arith.constant 0 : i32
        %dma_start3A_52 = tpu.memref_slice %arg10[%dma_start3A_50, %dma_start3A_51] : memref<10240x128xf32, #tpu.memory_space<vmem_shared>> -> memref<400x128xf32, #tpu.memory_space<vmem_shared>>
        %dma_start3A_53 = arith.constant 9600 : i32
        %dma_start3A_54 = arith.constant 0 : i32
        %dma_start3A_55 = tpu.memref_slice %arg4[%dma_start3A_53, %dma_start3A_54] : memref<10000x128xf32, #tpu.memory_space<hbm>> -> memref<400x128xf32, #tpu.memory_space<hbm>>
        tpu.enqueue_dma source(%dma_start3A_55 : memref<400x128xf32, #tpu.memory_space<hbm>>) target(%dma_start3A_52 : memref<400x128xf32, #tpu.memory_space<vmem_shared>>) target_semaphore(%run_scoped3A : memref<!tpu.dma_semaphore, #tpu.memory_space<semaphore_mem>>)
        %dma_wait3A = arith.constant 9600 : i32
        %dma_wait3A_56 = arith.constant 0 : i32
        %dma_wait3A_57 = tpu.memref_slice %arg10[%dma_wait3A, %dma_wait3A_56] : memref<10240x128xf32, #tpu.memory_space<vmem_shared>> -> memref<400x128xf32, #tpu.memory_space<vmem_shared>>
        %dma_wait3A_58 = arith.constant 9600 : i32
        %dma_wait3A_59 = arith.constant 0 : i32
        %dma_wait3A_60 = tpu.memref_slice %arg4[%dma_wait3A_58, %dma_wait3A_59] : memref<10000x128xf32, #tpu.memory_space<hbm>> -> memref<400x128xf32, #tpu.memory_space<hbm>>
        tpu.wait_dma2 semaphore(%run_scoped3A : memref<!tpu.dma_semaphore, #tpu.memory_space<semaphore_mem>>) src(%dma_wait3A_60 : memref<400x128xf32, #tpu.memory_space<hbm>>) dst(%dma_wait3A_57 : memref<400x128xf32, #tpu.memory_space<vmem_shared>>)
        tpu.yield
      }) : () -> ()
    } else {
    }
    %barrier3A = arith.constant 0 : index
    tpu.barrier barrier_id(%barrier3A)
    %scan3A = arith.constant 0 : i32
    %scan3A_20 = arith.constant 0 : i32
    %scan3A_21 = arith.constant 20 : i32
    %scan3A_22 = arith.addi %scan3A_20, %scan3A_21 : i32
    %scan3A_23 = arith.constant 1 : i32
    scf.for %scan3A_50 = %scan3A_20 to %scan3A_22 step %scan3A_23  : i32 {
      %mul3A_51 = arith.constant 2 : i32
      %mul3A_52 = arith.muli %scan3A_50, %mul3A_51 : i32
      %add3A_53 = arith.constant 0 : i32
      %add3A_54 = arith.addi %mul3A_52, %add3A_53 : i32
      %dma_wait3A = arith.constant 0 : i32
      %dma_wait3A_55 = tpu.memref_slice %arg6[%add3A_54, %dma_wait3A] : memref<40x125xi32, #tpu.memory_space<vmem>> -> memref<1x125xi32, #tpu.memory_space<vmem>>
      %dma_wait3A_56 = tpu.memref_squeeze %dma_wait3A_55 : memref<1x125xi32, #tpu.memory_space<vmem>> -> memref<125xi32, #tpu.memory_space<vmem>>
      %dma_wait3A_57 = arith.constant 0 : i32
      %dma_wait3A_58 = arith.constant 0 : i32
      %dma_wait3A_59 = tpu.memref_slice %arg4[%dma_wait3A_57, %dma_wait3A_58] : memref<10000x128xf32, #tpu.memory_space<hbm>> -> memref<10000x128xf32, #tpu.memory_space<hbm>>
      tpu.wait_indirect_dma semaphore(%arg11 : memref<!tpu.dma_semaphore, #tpu.memory_space<semaphore_mem>>) src(%dma_wait3A_59 : memref<10000x128xf32, #tpu.memory_space<hbm>>) dst(%arg8 : memref<125x128xf32, #tpu.memory_space<vmem>>)
      "tpu.region"() ({
        %run_scoped3A = tpu.sem_alloc : memref<!tpu.dma_semaphore, #tpu.memory_space<semaphore_mem>>
        %dma_start3A_82 = arith.constant 0 : i32
        %dma_start3A_83 = tpu.memref_slice %arg7[%add3A_54, %dma_start3A_82] : memref<40x125xi32, #tpu.memory_space<vmem>> -> memref<1x125xi32, #tpu.memory_space<vmem>>
        %dma_start3A_84 = tpu.memref_squeeze %dma_start3A_83 : memref<1x125xi32, #tpu.memory_space<vmem>> -> memref<125xi32, #tpu.memory_space<vmem>>
        %dma_start3A_85 = arith.constant 0 : i32
        %dma_start3A_86 = arith.constant 0 : i32
        %dma_start3A_87 = tpu.memref_slice %arg10[%dma_start3A_85, %dma_start3A_86] : memref<10240x128xf32, #tpu.memory_space<vmem_shared>> -> memref<10240x128xf32, #tpu.memory_space<vmem_shared>>
        tpu.enqueue_indirect_dma source(%arg8 : memref<125x128xf32, #tpu.memory_space<vmem>>) target(%dma_start3A_87 : memref<10240x128xf32, #tpu.memory_space<vmem_shared>>) offsets(%dma_start3A_84 : memref<125xi32, #tpu.memory_space<vmem>>) semaphore(%run_scoped3A : memref<!tpu.dma_semaphore, #tpu.memory_space<semaphore_mem>>) {add = true}
        %dma_wait3A_88 = arith.constant 0 : i32
        %dma_wait3A_89 = tpu.memref_slice %arg7[%add3A_54, %dma_wait3A_88] : memref<40x125xi32, #tpu.memory_space<vmem>> -> memref<1x125xi32, #tpu.memory_space<vmem>>
        %dma_wait3A_90 = tpu.memref_squeeze %dma_wait3A_89 : memref<1x125xi32, #tpu.memory_space<vmem>> -> memref<125xi32, #tpu.memory_space<vmem>>
        %dma_wait3A_91 = arith.constant 0 : i32
        %dma_wait3A_92 = arith.constant 0 : i32
        %dma_wait3A_93 = tpu.memref_slice %arg10[%dma_wait3A_91, %dma_wait3A_92] : memref<10240x128xf32, #tpu.memory_space<vmem_shared>> -> memref<10240x128xf32, #tpu.memory_space<vmem_shared>>
        tpu.wait_indirect_dma semaphore(%run_scoped3A : memref<!tpu.dma_semaphore, #tpu.memory_space<semaphore_mem>>) src(%arg8 : memref<125x128xf32, #tpu.memory_space<vmem>>) dst(%dma_wait3A_93 : memref<10240x128xf32, #tpu.memory_space<vmem_shared>>)
        tpu.yield
      }) : () -> ()
      %add3A_60 = arith.constant 2 : i32
      %add3A_61 = arith.addi %add3A_54, %add3A_60 : i32
      %lt3A_62 = arith.constant 40 : i32
      %lt3A_63 = arith.cmpi slt, %add3A_61, %lt3A_62 : i32
      %convert_element_type3A_64 = arith.extui %lt3A_63 : i1 to i32
      %cond3A_65 = arith.constant 0 : i32
      %cond3A_66 = arith.cmpi ne, %convert_element_type3A_64, %cond3A_65 : i32
      scf.if %cond3A_66 {
        %add3A_82 = arith.constant 2 : i32
        %add3A_83 = arith.addi %add3A_54, %add3A_82 : i32
        %dma_start3A_84 = arith.constant 0 : i32
        %dma_start3A_85 = tpu.memref_slice %arg6[%add3A_83, %dma_start3A_84] : memref<40x125xi32, #tpu.memory_space<vmem>> -> memref<1x125xi32, #tpu.memory_space<vmem>>
        %dma_start3A_86 = tpu.memref_squeeze %dma_start3A_85 : memref<1x125xi32, #tpu.memory_space<vmem>> -> memref<125xi32, #tpu.memory_space<vmem>>
        %dma_start3A_87 = arith.constant 0 : i32
        %dma_start3A_88 = arith.constant 0 : i32
        %dma_start3A_89 = tpu.memref_slice %arg4[%dma_start3A_87, %dma_start3A_88] : memref<10000x128xf32, #tpu.memory_space<hbm>> -> memref<10000x128xf32, #tpu.memory_space<hbm>>
        tpu.enqueue_indirect_dma source(%dma_start3A_89 : memref<10000x128xf32, #tpu.memory_space<hbm>>) target(%arg8 : memref<125x128xf32, #tpu.memory_space<vmem>>) offsets(%dma_start3A_86 : memref<125xi32, #tpu.memory_space<vmem>>) semaphore(%arg11 : memref<!tpu.dma_semaphore, #tpu.memory_space<semaphore_mem>>)
      } else {
      }
      %add3A_67 = arith.constant 1 : i32
      %add3A_68 = arith.addi %mul3A_52, %add3A_67 : i32
      %dma_wait3A_69 = arith.constant 0 : i32
      %dma_wait3A_70 = tpu.memref_slice %arg6[%add3A_68, %dma_wait3A_69] : memref<40x125xi32, #tpu.memory_space<vmem>> -> memref<1x125xi32, #tpu.memory_space<vmem>>
      %dma_wait3A_71 = tpu.memref_squeeze %dma_wait3A_70 : memref<1x125xi32, #tpu.memory_space<vmem>> -> memref<125xi32, #tpu.memory_space<vmem>>
      %dma_wait3A_72 = arith.constant 0 : i32
      %dma_wait3A_73 = arith.constant 0 : i32
      %dma_wait3A_74 = tpu.memref_slice %arg4[%dma_wait3A_72, %dma_wait3A_73] : memref<10000x128xf32, #tpu.memory_space<hbm>> -> memref<10000x128xf32, #tpu.memory_space<hbm>>
      tpu.wait_indirect_dma semaphore(%arg12 : memref<!tpu.dma_semaphore, #tpu.memory_space<semaphore_mem>>) src(%dma_wait3A_74 : memref<10000x128xf32, #tpu.memory_space<hbm>>) dst(%arg9 : memref<125x128xf32, #tpu.memory_space<vmem>>)
      "tpu.region"() ({
        %run_scoped3A = tpu.sem_alloc : memref<!tpu.dma_semaphore, #tpu.memory_space<semaphore_mem>>
        %dma_start3A_82 = arith.constant 0 : i32
        %dma_start3A_83 = tpu.memref_slice %arg7[%add3A_68, %dma_start3A_82] : memref<40x125xi32, #tpu.memory_space<vmem>> -> memref<1x125xi32, #tpu.memory_space<vmem>>
        %dma_start3A_84 = tpu.memref_squeeze %dma_start3A_83 : memref<1x125xi32, #tpu.memory_space<vmem>> -> memref<125xi32, #tpu.memory_space<vmem>>
        %dma_start3A_85 = arith.constant 0 : i32
        %dma_start3A_86 = arith.constant 0 : i32
        %dma_start3A_87 = tpu.memref_slice %arg10[%dma_start3A_85, %dma_start3A_86] : memref<10240x128xf32, #tpu.memory_space<vmem_shared>> -> memref<10240x128xf32, #tpu.memory_space<vmem_shared>>
        tpu.enqueue_indirect_dma source(%arg9 : memref<125x128xf32, #tpu.memory_space<vmem>>) target(%dma_start3A_87 : memref<10240x128xf32, #tpu.memory_space<vmem_shared>>) offsets(%dma_start3A_84 : memref<125xi32, #tpu.memory_space<vmem>>) semaphore(%run_scoped3A : memref<!tpu.dma_semaphore, #tpu.memory_space<semaphore_mem>>) {add = true}
        %dma_wait3A_88 = arith.constant 0 : i32
        %dma_wait3A_89 = tpu.memref_slice %arg7[%add3A_68, %dma_wait3A_88] : memref<40x125xi32, #tpu.memory_space<vmem>> -> memref<1x125xi32, #tpu.memory_space<vmem>>
        %dma_wait3A_90 = tpu.memref_squeeze %dma_wait3A_89 : memref<1x125xi32, #tpu.memory_space<vmem>> -> memref<125xi32, #tpu.memory_space<vmem>>
        %dma_wait3A_91 = arith.constant 0 : i32
        %dma_wait3A_92 = arith.constant 0 : i32
        %dma_wait3A_93 = tpu.memref_slice %arg10[%dma_wait3A_91, %dma_wait3A_92] : memref<10240x128xf32, #tpu.memory_space<vmem_shared>> -> memref<10240x128xf32, #tpu.memory_space<vmem_shared>>
        tpu.wait_indirect_dma semaphore(%run_scoped3A : memref<!tpu.dma_semaphore, #tpu.memory_space<semaphore_mem>>) src(%arg9 : memref<125x128xf32, #tpu.memory_space<vmem>>) dst(%dma_wait3A_93 : memref<10240x128xf32, #tpu.memory_space<vmem_shared>>)
        tpu.yield
      }) : () -> ()
      %add3A_75 = arith.constant 2 : i32
      %add3A_76 = arith.addi %add3A_68, %add3A_75 : i32
      %lt3A_77 = arith.constant 40 : i32
      %lt3A_78 = arith.cmpi slt, %add3A_76, %lt3A_77 : i32
      %convert_element_type3A_79 = arith.extui %lt3A_78 : i1 to i32
      %cond3A_80 = arith.constant 0 : i32
      %cond3A_81 = arith.cmpi ne, %convert_element_type3A_79, %cond3A_80 : i32
      scf.if %cond3A_81 {
        %add3A_82 = arith.constant 2 : i32
        %add3A_83 = arith.addi %add3A_68, %add3A_82 : i32
        %dma_start3A_84 = arith.constant 0 : i32
        %dma_start3A_85 = tpu.memref_slice %arg6[%add3A_83, %dma_start3A_84] : memref<40x125xi32, #tpu.memory_space<vmem>> -> memref<1x125xi32, #tpu.memory_space<vmem>>
        %dma_start3A_86 = tpu.memref_squeeze %dma_start3A_85 : memref<1x125xi32, #tpu.memory_space<vmem>> -> memref<125xi32, #tpu.memory_space<vmem>>
        %dma_start3A_87 = arith.constant 0 : i32
        %dma_start3A_88 = arith.constant 0 : i32
        %dma_start3A_89 = tpu.memref_slice %arg4[%dma_start3A_87, %dma_start3A_88] : memref<10000x128xf32, #tpu.memory_space<hbm>> -> memref<10000x128xf32, #tpu.memory_space<hbm>>
        tpu.enqueue_indirect_dma source(%dma_start3A_89 : memref<10000x128xf32, #tpu.memory_space<hbm>>) target(%arg9 : memref<125x128xf32, #tpu.memory_space<vmem>>) offsets(%dma_start3A_86 : memref<125xi32, #tpu.memory_space<vmem>>) semaphore(%arg12 : memref<!tpu.dma_semaphore, #tpu.memory_space<semaphore_mem>>)
      } else {
      }
    }
    %scan3A_24 = arith.constant 20 : i32
    "tpu.region"() ({
      %run_scoped3A = tpu.sem_alloc : memref<!tpu.dma_semaphore, #tpu.memory_space<semaphore_mem>>
      %dma_start3A_50 = arith.constant 40 : i32
      %dma_start3A_51 = arith.constant 0 : i32
      %dma_start3A_52 = tpu.memref_slice %arg2[%add3A, %dma_start3A_50, %dma_start3A_51] : memref<32x80x125xi32, #tpu.memory_space<hbm>> -> memref<1x40x125xi32, #tpu.memory_space<hbm>>
      %dma_start3A_53 = tpu.memref_squeeze %dma_start3A_52 : memref<1x40x125xi32, #tpu.memory_space<hbm>> -> memref<40x125xi32, #tpu.memory_space<hbm>>
      %dma_start3A_54 = arith.constant 40 : i32
      %dma_start3A_55 = arith.constant 0 : i32
      %dma_start3A_56 = tpu.memref_slice %arg2[%add3A, %dma_start3A_54, %dma_start3A_55] : memref<32x80x125xi32, #tpu.memory_space<hbm>> -> memref<1x40x125xi32, #tpu.memory_space<hbm>>
      %dma_start3A_57 = tpu.memref_squeeze %dma_start3A_56 : memref<1x40x125xi32, #tpu.memory_space<hbm>> -> memref<40x125xi32, #tpu.memory_space<hbm>>
      tpu.enqueue_dma source(%dma_start3A_57 : memref<40x125xi32, #tpu.memory_space<hbm>>) target(%arg6 : memref<40x125xi32, #tpu.memory_space<vmem>>) target_semaphore(%run_scoped3A : memref<!tpu.dma_semaphore, #tpu.memory_space<semaphore_mem>>)
      %dma_wait3A = arith.constant 40 : i32
      %dma_wait3A_58 = arith.constant 0 : i32
      %dma_wait3A_59 = tpu.memref_slice %arg2[%add3A, %dma_wait3A, %dma_wait3A_58] : memref<32x80x125xi32, #tpu.memory_space<hbm>> -> memref<1x40x125xi32, #tpu.memory_space<hbm>>
      %dma_wait3A_60 = tpu.memref_squeeze %dma_wait3A_59 : memref<1x40x125xi32, #tpu.memory_space<hbm>> -> memref<40x125xi32, #tpu.memory_space<hbm>>
      %dma_wait3A_61 = arith.constant 40 : i32
      %dma_wait3A_62 = arith.constant 0 : i32
      %dma_wait3A_63 = tpu.memref_slice %arg2[%add3A, %dma_wait3A_61, %dma_wait3A_62] : memref<32x80x125xi32, #tpu.memory_space<hbm>> -> memref<1x40x125xi32, #tpu.memory_space<hbm>>
      %dma_wait3A_64 = tpu.memref_squeeze %dma_wait3A_63 : memref<1x40x125xi32, #tpu.memory_space<hbm>> -> memref<40x125xi32, #tpu.memory_space<hbm>>
      tpu.wait_dma2 semaphore(%run_scoped3A : memref<!tpu.dma_semaphore, #tpu.memory_space<semaphore_mem>>) src(%dma_wait3A_64 : memref<40x125xi32, #tpu.memory_space<hbm>>) dst(%arg6 : memref<40x125xi32, #tpu.memory_space<vmem>>)
      tpu.yield
    }) : () -> ()
    "tpu.region"() ({
      %run_scoped3A = tpu.sem_alloc : memref<!tpu.dma_semaphore, #tpu.memory_space<semaphore_mem>>
      %dma_start3A_50 = arith.constant 40 : i32
      %dma_start3A_51 = arith.constant 0 : i32
      %dma_start3A_52 = tpu.memref_slice %arg3[%add3A, %dma_start3A_50, %dma_start3A_51] : memref<32x80x125xi32, #tpu.memory_space<hbm>> -> memref<1x40x125xi32, #tpu.memory_space<hbm>>
      %dma_start3A_53 = tpu.memref_squeeze %dma_start3A_52 : memref<1x40x125xi32, #tpu.memory_space<hbm>> -> memref<40x125xi32, #tpu.memory_space<hbm>>
      %dma_start3A_54 = arith.constant 40 : i32
      %dma_start3A_55 = arith.constant 0 : i32
      %dma_start3A_56 = tpu.memref_slice %arg3[%add3A, %dma_start3A_54, %dma_start3A_55] : memref<32x80x125xi32, #tpu.memory_space<hbm>> -> memref<1x40x125xi32, #tpu.memory_space<hbm>>
      %dma_start3A_57 = tpu.memref_squeeze %dma_start3A_56 : memref<1x40x125xi32, #tpu.memory_space<hbm>> -> memref<40x125xi32, #tpu.memory_space<hbm>>
      tpu.enqueue_dma source(%dma_start3A_57 : memref<40x125xi32, #tpu.memory_space<hbm>>) target(%arg7 : memref<40x125xi32, #tpu.memory_space<vmem>>) target_semaphore(%run_scoped3A : memref<!tpu.dma_semaphore, #tpu.memory_space<semaphore_mem>>)
      %dma_wait3A = arith.constant 40 : i32
      %dma_wait3A_58 = arith.constant 0 : i32
      %dma_wait3A_59 = tpu.memref_slice %arg3[%add3A, %dma_wait3A, %dma_wait3A_58] : memref<32x80x125xi32, #tpu.memory_space<hbm>> -> memref<1x40x125xi32, #tpu.memory_space<hbm>>
      %dma_wait3A_60 = tpu.memref_squeeze %dma_wait3A_59 : memref<1x40x125xi32, #tpu.memory_space<hbm>> -> memref<40x125xi32, #tpu.memory_space<hbm>>
      %dma_wait3A_61 = arith.constant 40 : i32
      %dma_wait3A_62 = arith.constant 0 : i32
      %dma_wait3A_63 = tpu.memref_slice %arg3[%add3A, %dma_wait3A_61, %dma_wait3A_62] : memref<32x80x125xi32, #tpu.memory_space<hbm>> -> memref<1x40x125xi32, #tpu.memory_space<hbm>>
      %dma_wait3A_64 = tpu.memref_squeeze %dma_wait3A_63 : memref<1x40x125xi32, #tpu.memory_space<hbm>> -> memref<40x125xi32, #tpu.memory_space<hbm>>
      tpu.wait_dma2 semaphore(%run_scoped3A : memref<!tpu.dma_semaphore, #tpu.memory_space<semaphore_mem>>) src(%dma_wait3A_64 : memref<40x125xi32, #tpu.memory_space<hbm>>) dst(%arg7 : memref<40x125xi32, #tpu.memory_space<vmem>>)
      tpu.yield
    }) : () -> ()
    %dma_start3A_25 = arith.constant 0 : i32
    %dma_start3A_26 = arith.constant 0 : i32
    %dma_start3A_27 = tpu.memref_slice %arg6[%dma_start3A_25, %dma_start3A_26] : memref<40x125xi32, #tpu.memory_space<vmem>> -> memref<1x125xi32, #tpu.memory_space<vmem>>
    %dma_start3A_28 = tpu.memref_squeeze %dma_start3A_27 : memref<1x125xi32, #tpu.memory_space<vmem>> -> memref<125xi32, #tpu.memory_space<vmem>>
    %dma_start3A_29 = arith.constant 0 : i32
    %dma_start3A_30 = arith.constant 0 : i32
    %dma_start3A_31 = tpu.memref_slice %arg4[%dma_start3A_29, %dma_start3A_30] : memref<10000x128xf32, #tpu.memory_space<hbm>> -> memref<10000x128xf32, #tpu.memory_space<hbm>>
    tpu.enqueue_indirect_dma source(%dma_start3A_31 : memref<10000x128xf32, #tpu.memory_space<hbm>>) target(%arg8 : memref<125x128xf32, #tpu.memory_space<vmem>>) offsets(%dma_start3A_28 : memref<125xi32, #tpu.memory_space<vmem>>) semaphore(%arg11 : memref<!tpu.dma_semaphore, #tpu.memory_space<semaphore_mem>>)
    %dma_start3A_32 = arith.constant 1 : i32
    %dma_start3A_33 = arith.constant 0 : i32
    %dma_start3A_34 = tpu.memref_slice %arg6[%dma_start3A_32, %dma_start3A_33] : memref<40x125xi32, #tpu.memory_space<vmem>> -> memref<1x125xi32, #tpu.memory_space<vmem>>
    %dma_start3A_35 = tpu.memref_squeeze %dma_start3A_34 : memref<1x125xi32, #tpu.memory_space<vmem>> -> memref<125xi32, #tpu.memory_space<vmem>>
    %dma_start3A_36 = arith.constant 0 : i32
    %dma_start3A_37 = arith.constant 0 : i32
    %dma_start3A_38 = tpu.memref_slice %arg4[%dma_start3A_36, %dma_start3A_37] : memref<10000x128xf32, #tpu.memory_space<hbm>> -> memref<10000x128xf32, #tpu.memory_space<hbm>>
    tpu.enqueue_indirect_dma source(%dma_start3A_38 : memref<10000x128xf32, #tpu.memory_space<hbm>>) target(%arg9 : memref<125x128xf32, #tpu.memory_space<vmem>>) offsets(%dma_start3A_35 : memref<125xi32, #tpu.memory_space<vmem>>) semaphore(%arg12 : memref<!tpu.dma_semaphore, #tpu.memory_space<semaphore_mem>>)
    %scan3A_39 = arith.constant 0 : i32
    %scan3A_40 = arith.constant 0 : i32
    %scan3A_41 = arith.constant 20 : i32
    %scan3A_42 = arith.addi %scan3A_40, %scan3A_41 : i32
    %scan3A_43 = arith.constant 1 : i32
    scf.for %scan3A_50 = %scan3A_40 to %scan3A_42 step %scan3A_43  : i32 {
      %mul3A_51 = arith.constant 2 : i32
      %mul3A_52 = arith.muli %scan3A_50, %mul3A_51 : i32
      %add3A_53 = arith.constant 0 : i32
      %add3A_54 = arith.addi %mul3A_52, %add3A_53 : i32
      %dma_wait3A = arith.constant 0 : i32
      %dma_wait3A_55 = tpu.memref_slice %arg6[%add3A_54, %dma_wait3A] : memref<40x125xi32, #tpu.memory_space<vmem>> -> memref<1x125xi32, #tpu.memory_space<vmem>>
      %dma_wait3A_56 = tpu.memref_squeeze %dma_wait3A_55 : memref<1x125xi32, #tpu.memory_space<vmem>> -> memref<125xi32, #tpu.memory_space<vmem>>
      %dma_wait3A_57 = arith.constant 0 : i32
      %dma_wait3A_58 = arith.constant 0 : i32
      %dma_wait3A_59 = tpu.memref_slice %arg4[%dma_wait3A_57, %dma_wait3A_58] : memref<10000x128xf32, #tpu.memory_space<hbm>> -> memref<10000x128xf32, #tpu.memory_space<hbm>>
      tpu.wait_indirect_dma semaphore(%arg11 : memref<!tpu.dma_semaphore, #tpu.memory_space<semaphore_mem>>) src(%dma_wait3A_59 : memref<10000x128xf32, #tpu.memory_space<hbm>>) dst(%arg8 : memref<125x128xf32, #tpu.memory_space<vmem>>)
      "tpu.region"() ({
        %run_scoped3A = tpu.sem_alloc : memref<!tpu.dma_semaphore, #tpu.memory_space<semaphore_mem>>
        %dma_start3A_82 = arith.constant 0 : i32
        %dma_start3A_83 = tpu.memref_slice %arg7[%add3A_54, %dma_start3A_82] : memref<40x125xi32, #tpu.memory_space<vmem>> -> memref<1x125xi32, #tpu.memory_space<vmem>>
        %dma_start3A_84 = tpu.memref_squeeze %dma_start3A_83 : memref<1x125xi32, #tpu.memory_space<vmem>> -> memref<125xi32, #tpu.memory_space<vmem>>
        %dma_start3A_85 = arith.constant 0 : i32
        %dma_start3A_86 = arith.constant 0 : i32
        %dma_start3A_87 = tpu.memref_slice %arg10[%dma_start3A_85, %dma_start3A_86] : memref<10240x128xf32, #tpu.memory_space<vmem_shared>> -> memref<10240x128xf32, #tpu.memory_space<vmem_shared>>
        tpu.enqueue_indirect_dma source(%arg8 : memref<125x128xf32, #tpu.memory_space<vmem>>) target(%dma_start3A_87 : memref<10240x128xf32, #tpu.memory_space<vmem_shared>>) offsets(%dma_start3A_84 : memref<125xi32, #tpu.memory_space<vmem>>) semaphore(%run_scoped3A : memref<!tpu.dma_semaphore, #tpu.memory_space<semaphore_mem>>) {add = true}
        %dma_wait3A_88 = arith.constant 0 : i32
        %dma_wait3A_89 = tpu.memref_slice %arg7[%add3A_54, %dma_wait3A_88] : memref<40x125xi32, #tpu.memory_space<vmem>> -> memref<1x125xi32, #tpu.memory_space<vmem>>
        %dma_wait3A_90 = tpu.memref_squeeze %dma_wait3A_89 : memref<1x125xi32, #tpu.memory_space<vmem>> -> memref<125xi32, #tpu.memory_space<vmem>>
        %dma_wait3A_91 = arith.constant 0 : i32
        %dma_wait3A_92 = arith.constant 0 : i32
        %dma_wait3A_93 = tpu.memref_slice %arg10[%dma_wait3A_91, %dma_wait3A_92] : memref<10240x128xf32, #tpu.memory_space<vmem_shared>> -> memref<10240x128xf32, #tpu.memory_space<vmem_shared>>
        tpu.wait_indirect_dma semaphore(%run_scoped3A : memref<!tpu.dma_semaphore, #tpu.memory_space<semaphore_mem>>) src(%arg8 : memref<125x128xf32, #tpu.memory_space<vmem>>) dst(%dma_wait3A_93 : memref<10240x128xf32, #tpu.memory_space<vmem_shared>>)
        tpu.yield
      }) : () -> ()
      %add3A_60 = arith.constant 2 : i32
      %add3A_61 = arith.addi %add3A_54, %add3A_60 : i32
      %lt3A_62 = arith.constant 40 : i32
      %lt3A_63 = arith.cmpi slt, %add3A_61, %lt3A_62 : i32
      %convert_element_type3A_64 = arith.extui %lt3A_63 : i1 to i32
      %cond3A_65 = arith.constant 0 : i32
      %cond3A_66 = arith.cmpi ne, %convert_element_type3A_64, %cond3A_65 : i32
      scf.if %cond3A_66 {
        %add3A_82 = arith.constant 2 : i32
        %add3A_83 = arith.addi %add3A_54, %add3A_82 : i32
        %dma_start3A_84 = arith.constant 0 : i32
        %dma_start3A_85 = tpu.memref_slice %arg6[%add3A_83, %dma_start3A_84] : memref<40x125xi32, #tpu.memory_space<vmem>> -> memref<1x125xi32, #tpu.memory_space<vmem>>
        %dma_start3A_86 = tpu.memref_squeeze %dma_start3A_85 : memref<1x125xi32, #tpu.memory_space<vmem>> -> memref<125xi32, #tpu.memory_space<vmem>>
        %dma_start3A_87 = arith.constant 0 : i32
        %dma_start3A_88 = arith.constant 0 : i32
        %dma_start3A_89 = tpu.memref_slice %arg4[%dma_start3A_87, %dma_start3A_88] : memref<10000x128xf32, #tpu.memory_space<hbm>> -> memref<10000x128xf32, #tpu.memory_space<hbm>>
        tpu.enqueue_indirect_dma source(%dma_start3A_89 : memref<10000x128xf32, #tpu.memory_space<hbm>>) target(%arg8 : memref<125x128xf32, #tpu.memory_space<vmem>>) offsets(%dma_start3A_86 : memref<125xi32, #tpu.memory_space<vmem>>) semaphore(%arg11 : memref<!tpu.dma_semaphore, #tpu.memory_space<semaphore_mem>>)
      } else {
      }
      %add3A_67 = arith.constant 1 : i32
      %add3A_68 = arith.addi %mul3A_52, %add3A_67 : i32
      %dma_wait3A_69 = arith.constant 0 : i32
      %dma_wait3A_70 = tpu.memref_slice %arg6[%add3A_68, %dma_wait3A_69] : memref<40x125xi32, #tpu.memory_space<vmem>> -> memref<1x125xi32, #tpu.memory_space<vmem>>
      %dma_wait3A_71 = tpu.memref_squeeze %dma_wait3A_70 : memref<1x125xi32, #tpu.memory_space<vmem>> -> memref<125xi32, #tpu.memory_space<vmem>>
      %dma_wait3A_72 = arith.constant 0 : i32
      %dma_wait3A_73 = arith.constant 0 : i32
      %dma_wait3A_74 = tpu.memref_slice %arg4[%dma_wait3A_72, %dma_wait3A_73] : memref<10000x128xf32, #tpu.memory_space<hbm>> -> memref<10000x128xf32, #tpu.memory_space<hbm>>
      tpu.wait_indirect_dma semaphore(%arg12 : memref<!tpu.dma_semaphore, #tpu.memory_space<semaphore_mem>>) src(%dma_wait3A_74 : memref<10000x128xf32, #tpu.memory_space<hbm>>) dst(%arg9 : memref<125x128xf32, #tpu.memory_space<vmem>>)
      "tpu.region"() ({
        %run_scoped3A = tpu.sem_alloc : memref<!tpu.dma_semaphore, #tpu.memory_space<semaphore_mem>>
        %dma_start3A_82 = arith.constant 0 : i32
        %dma_start3A_83 = tpu.memref_slice %arg7[%add3A_68, %dma_start3A_82] : memref<40x125xi32, #tpu.memory_space<vmem>> -> memref<1x125xi32, #tpu.memory_space<vmem>>
        %dma_start3A_84 = tpu.memref_squeeze %dma_start3A_83 : memref<1x125xi32, #tpu.memory_space<vmem>> -> memref<125xi32, #tpu.memory_space<vmem>>
        %dma_start3A_85 = arith.constant 0 : i32
        %dma_start3A_86 = arith.constant 0 : i32
        %dma_start3A_87 = tpu.memref_slice %arg10[%dma_start3A_85, %dma_start3A_86] : memref<10240x128xf32, #tpu.memory_space<vmem_shared>> -> memref<10240x128xf32, #tpu.memory_space<vmem_shared>>
        tpu.enqueue_indirect_dma source(%arg9 : memref<125x128xf32, #tpu.memory_space<vmem>>) target(%dma_start3A_87 : memref<10240x128xf32, #tpu.memory_space<vmem_shared>>) offsets(%dma_start3A_84 : memref<125xi32, #tpu.memory_space<vmem>>) semaphore(%run_scoped3A : memref<!tpu.dma_semaphore, #tpu.memory_space<semaphore_mem>>) {add = true}
        %dma_wait3A_88 = arith.constant 0 : i32
        %dma_wait3A_89 = tpu.memref_slice %arg7[%add3A_68, %dma_wait3A_88] : memref<40x125xi32, #tpu.memory_space<vmem>> -> memref<1x125xi32, #tpu.memory_space<vmem>>
        %dma_wait3A_90 = tpu.memref_squeeze %dma_wait3A_89 : memref<1x125xi32, #tpu.memory_space<vmem>> -> memref<125xi32, #tpu.memory_space<vmem>>
        %dma_wait3A_91 = arith.constant 0 : i32
        %dma_wait3A_92 = arith.constant 0 : i32
        %dma_wait3A_93 = tpu.memref_slice %arg10[%dma_wait3A_91, %dma_wait3A_92] : memref<10240x128xf32, #tpu.memory_space<vmem_shared>> -> memref<10240x128xf32, #tpu.memory_space<vmem_shared>>
        tpu.wait_indirect_dma semaphore(%run_scoped3A : memref<!tpu.dma_semaphore, #tpu.memory_space<semaphore_mem>>) src(%arg9 : memref<125x128xf32, #tpu.memory_space<vmem>>) dst(%dma_wait3A_93 : memref<10240x128xf32, #tpu.memory_space<vmem_shared>>)
        tpu.yield
      }) : () -> ()
      %add3A_75 = arith.constant 2 : i32
      %add3A_76 = arith.addi %add3A_68, %add3A_75 : i32
      %lt3A_77 = arith.constant 40 : i32
      %lt3A_78 = arith.cmpi slt, %add3A_76, %lt3A_77 : i32
      %convert_element_type3A_79 = arith.extui %lt3A_78 : i1 to i32
      %cond3A_80 = arith.constant 0 : i32
      %cond3A_81 = arith.cmpi ne, %convert_element_type3A_79, %cond3A_80 : i32
      scf.if %cond3A_81 {
        %add3A_82 = arith.constant 2 : i32
        %add3A_83 = arith.addi %add3A_68, %add3A_82 : i32
        %dma_start3A_84 = arith.constant 0 : i32
        %dma_start3A_85 = tpu.memref_slice %arg6[%add3A_83, %dma_start3A_84] : memref<40x125xi32, #tpu.memory_space<vmem>> -> memref<1x125xi32, #tpu.memory_space<vmem>>
        %dma_start3A_86 = tpu.memref_squeeze %dma_start3A_85 : memref<1x125xi32, #tpu.memory_space<vmem>> -> memref<125xi32, #tpu.memory_space<vmem>>
        %dma_start3A_87 = arith.constant 0 : i32
        %dma_start3A_88 = arith.constant 0 : i32
        %dma_start3A_89 = tpu.memref_slice %arg4[%dma_start3A_87, %dma_start3A_88] : memref<10000x128xf32, #tpu.memory_space<hbm>> -> memref<10000x128xf32, #tpu.memory_space<hbm>>
        tpu.enqueue_indirect_dma source(%dma_start3A_89 : memref<10000x128xf32, #tpu.memory_space<hbm>>) target(%arg9 : memref<125x128xf32, #tpu.memory_space<vmem>>) offsets(%dma_start3A_86 : memref<125xi32, #tpu.memory_space<vmem>>) semaphore(%arg12 : memref<!tpu.dma_semaphore, #tpu.memory_space<semaphore_mem>>)
      } else {
      }
    }
    %scan3A_44 = arith.constant 20 : i32
    %barrier3A_45 = arith.constant 0 : index
    tpu.barrier barrier_id(%barrier3A_45)
    %mul3A_46 = arith.constant 640 : i32
    %mul3A_47 = arith.muli %arg1, %mul3A_46 : i32
    %mul3A_48 = arith.constant 640 : i32
    %mul3A_49 = arith.muli %arg1, %mul3A_48 : i32
    "tpu.region"() ({
      %run_scoped3A = tpu.sem_alloc : memref<!tpu.dma_semaphore, #tpu.memory_space<semaphore_mem>>
      %dma_start3A_50 = arith.constant 0 : i32
      %dma_start3A_51 = tpu.memref_slice %arg5[%arg0, %mul3A_49, %dma_start3A_50] : memref<2x10240x128xf32, #tpu.memory_space<hbm>> -> memref<1x640x128xf32, #tpu.memory_space<hbm>>
      %dma_start3A_52 = tpu.memref_squeeze %dma_start3A_51 : memref<1x640x128xf32, #tpu.memory_space<hbm>> -> memref<640x128xf32, #tpu.memory_space<hbm>>
      %dma_start3A_53 = arith.constant 0 : i32
      %dma_start3A_54 = tpu.memref_slice %arg10[%mul3A_47, %dma_start3A_53] : memref<10240x128xf32, #tpu.memory_space<vmem_shared>> -> memref<640x128xf32, #tpu.memory_space<vmem_shared>>
      tpu.enqueue_dma source(%dma_start3A_54 : memref<640x128xf32, #tpu.memory_space<vmem_shared>>) target(%dma_start3A_52 : memref<640x128xf32, #tpu.memory_space<hbm>>) target_semaphore(%run_scoped3A : memref<!tpu.dma_semaphore, #tpu.memory_space<semaphore_mem>>)
      %dma_wait3A = arith.constant 0 : i32
      %dma_wait3A_55 = tpu.memref_slice %arg5[%arg0, %mul3A_49, %dma_wait3A] : memref<2x10240x128xf32, #tpu.memory_space<hbm>> -> memref<1x640x128xf32, #tpu.memory_space<hbm>>
      %dma_wait3A_56 = tpu.memref_squeeze %dma_wait3A_55 : memref<1x640x128xf32, #tpu.memory_space<hbm>> -> memref<640x128xf32, #tpu.memory_space<hbm>>
      %dma_wait3A_57 = arith.constant 0 : i32
      %dma_wait3A_58 = tpu.memref_slice %arg10[%mul3A_47, %dma_wait3A_57] : memref<10240x128xf32, #tpu.memory_space<vmem_shared>> -> memref<640x128xf32, #tpu.memory_space<vmem_shared>>
      tpu.wait_dma2 semaphore(%run_scoped3A : memref<!tpu.dma_semaphore, #tpu.memory_space<semaphore_mem>>) src(%dma_wait3A_58 : memref<640x128xf32, #tpu.memory_space<vmem_shared>>) dst(%dma_wait3A_56 : memref<640x128xf32, #tpu.memory_space<hbm>>)
      tpu.yield
    }) : () -> ()
    return
  }
}

#map = affine_map<(d0, d1) -> (0, 0, 0)>
#map1 = affine_map<(d0, d1) -> (0, 0)>
module attributes {stable_mosaic.version = 14 : i64} {
  func.func @sc_scatter(%arg0: i32, %arg1: i32, %arg2: memref<32x80x125xi32, #tpu.memory_space<hbm>>, %arg3: memref<32x80x125xi32, #tpu.memory_space<hbm>>, %arg4: memref<10000x128xf32, #tpu.memory_space<hbm>>, %arg5: memref<2x10240x128xf32, #tpu.memory_space<hbm>>, %arg6: memref<40x125xi32, #tpu.memory_space<vmem>>, %arg7: memref<40x125xi32, #tpu.memory_space<vmem>>, %arg8: memref<125x128xf32, #tpu.memory_space<vmem>>, %arg9: memref<125x128xf32, #tpu.memory_space<vmem>>, %arg10: memref<10240x128xf32, #tpu.memory_space<vmem_shared>>, %arg11: memref<!tpu.dma_semaphore, #tpu.memory_space<semaphore_mem>>, %arg12: memref<!tpu.dma_semaphore, #tpu.memory_space<semaphore_mem>>) attributes {dimension_semantics = [#tpu.dimension_semantics<core_parallel>, #tpu.dimension_semantics<subcore_parallel>], iteration_bounds = array<i64: 2, 16>, scalar_prefetch = 0 : i64, scratch_operands = 7 : i64, tpu.core_type = #tpu.core_type<sc_vector_subcore>, window_params = [{transform_indices = #map}, {transform_indices = #map}, {transform_indices = #map1}, {transform_indices = #map}]} {
    %mul3A = arith.constant 16 : i32
    %mul3A_0 = arith.muli %arg0, %mul3A : i32
    %add3A = arith.addi %mul3A_0, %arg1 : i32
    "tpu.region"() ({
      %run_scoped3A = tpu.sem_alloc : memref<!tpu.dma_semaphore, #tpu.memory_space<semaphore_mem>>
      %dma_start3A_50 = arith.constant 0 : i32
      %dma_start3A_51 = arith.constant 0 : i32
      %dma_start3A_52 = tpu.memref_slice %arg2[%add3A, %dma_start3A_50, %dma_start3A_51] : memref<32x80x125xi32, #tpu.memory_space<hbm>> -> memref<1x40x125xi32, #tpu.memory_space<hbm>>
      %dma_start3A_53 = tpu.memref_squeeze %dma_start3A_52 : memref<1x40x125xi32, #tpu.memory_space<hbm>> -> memref<40x125xi32, #tpu.memory_space<hbm>>
      %dma_start3A_54 = arith.constant 0 : i32
      %dma_start3A_55 = arith.constant 0 : i32
      %dma_start3A_56 = tpu.memref_slice %arg2[%add3A, %dma_start3A_54, %dma_start3A_55] : memref<32x80x125xi32, #tpu.memory_space<hbm>> -> memref<1x40x125xi32, #tpu.memory_space<hbm>>
      %dma_start3A_57 = tpu.memref_squeeze %dma_start3A_56 : memref<1x40x125xi32, #tpu.memory_space<hbm>> -> memref<40x125xi32, #tpu.memory_space<hbm>>
      tpu.enqueue_dma source(%dma_start3A_57 : memref<40x125xi32, #tpu.memory_space<hbm>>) target(%arg6 : memref<40x125xi32, #tpu.memory_space<vmem>>) target_semaphore(%run_scoped3A : memref<!tpu.dma_semaphore, #tpu.memory_space<semaphore_mem>>)
      %dma_wait3A = arith.constant 0 : i32
      %dma_wait3A_58 = arith.constant 0 : i32
      %dma_wait3A_59 = tpu.memref_slice %arg2[%add3A, %dma_wait3A, %dma_wait3A_58] : memref<32x80x125xi32, #tpu.memory_space<hbm>> -> memref<1x40x125xi32, #tpu.memory_space<hbm>>
      %dma_wait3A_60 = tpu.memref_squeeze %dma_wait3A_59 : memref<1x40x125xi32, #tpu.memory_space<hbm>> -> memref<40x125xi32, #tpu.memory_space<hbm>>
      %dma_wait3A_61 = arith.constant 0 : i32
      %dma_wait3A_62 = arith.constant 0 : i32
      %dma_wait3A_63 = tpu.memref_slice %arg2[%add3A, %dma_wait3A_61, %dma_wait3A_62] : memref<32x80x125xi32, #tpu.memory_space<hbm>> -> memref<1x40x125xi32, #tpu.memory_space<hbm>>
      %dma_wait3A_64 = tpu.memref_squeeze %dma_wait3A_63 : memref<1x40x125xi32, #tpu.memory_space<hbm>> -> memref<40x125xi32, #tpu.memory_space<hbm>>
      tpu.wait_dma2 semaphore(%run_scoped3A : memref<!tpu.dma_semaphore, #tpu.memory_space<semaphore_mem>>) src(%dma_wait3A_64 : memref<40x125xi32, #tpu.memory_space<hbm>>) dst(%arg6 : memref<40x125xi32, #tpu.memory_space<vmem>>)
      tpu.yield
    }) : () -> ()
    "tpu.region"() ({
      %run_scoped3A = tpu.sem_alloc : memref<!tpu.dma_semaphore, #tpu.memory_space<semaphore_mem>>
      %dma_start3A_50 = arith.constant 0 : i32
      %dma_start3A_51 = arith.constant 0 : i32
      %dma_start3A_52 = tpu.memref_slice %arg3[%add3A, %dma_start3A_50, %dma_start3A_51] : memref<32x80x125xi32, #tpu.memory_space<hbm>> -> memref<1x40x125xi32, #tpu.memory_space<hbm>>
      %dma_start3A_53 = tpu.memref_squeeze %dma_start3A_52 : memref<1x40x125xi32, #tpu.memory_space<hbm>> -> memref<40x125xi32, #tpu.memory_space<hbm>>
      %dma_start3A_54 = arith.constant 0 : i32
      %dma_start3A_55 = arith.constant 0 : i32
      %dma_start3A_56 = tpu.memref_slice %arg3[%add3A, %dma_start3A_54, %dma_start3A_55] : memref<32x80x125xi32, #tpu.memory_space<hbm>> -> memref<1x40x125xi32, #tpu.memory_space<hbm>>
      %dma_start3A_57 = tpu.memref_squeeze %dma_start3A_56 : memref<1x40x125xi32, #tpu.memory_space<hbm>> -> memref<40x125xi32, #tpu.memory_space<hbm>>
      tpu.enqueue_dma source(%dma_start3A_57 : memref<40x125xi32, #tpu.memory_space<hbm>>) target(%arg7 : memref<40x125xi32, #tpu.memory_space<vmem>>) target_semaphore(%run_scoped3A : memref<!tpu.dma_semaphore, #tpu.memory_space<semaphore_mem>>)
      %dma_wait3A = arith.constant 0 : i32
      %dma_wait3A_58 = arith.constant 0 : i32
      %dma_wait3A_59 = tpu.memref_slice %arg3[%add3A, %dma_wait3A, %dma_wait3A_58] : memref<32x80x125xi32, #tpu.memory_space<hbm>> -> memref<1x40x125xi32, #tpu.memory_space<hbm>>
      %dma_wait3A_60 = tpu.memref_squeeze %dma_wait3A_59 : memref<1x40x125xi32, #tpu.memory_space<hbm>> -> memref<40x125xi32, #tpu.memory_space<hbm>>
      %dma_wait3A_61 = arith.constant 0 : i32
      %dma_wait3A_62 = arith.constant 0 : i32
      %dma_wait3A_63 = tpu.memref_slice %arg3[%add3A, %dma_wait3A_61, %dma_wait3A_62] : memref<32x80x125xi32, #tpu.memory_space<hbm>> -> memref<1x40x125xi32, #tpu.memory_space<hbm>>
      %dma_wait3A_64 = tpu.memref_squeeze %dma_wait3A_63 : memref<1x40x125xi32, #tpu.memory_space<hbm>> -> memref<40x125xi32, #tpu.memory_space<hbm>>
      tpu.wait_dma2 semaphore(%run_scoped3A : memref<!tpu.dma_semaphore, #tpu.memory_space<semaphore_mem>>) src(%dma_wait3A_64 : memref<40x125xi32, #tpu.memory_space<hbm>>) dst(%arg7 : memref<40x125xi32, #tpu.memory_space<vmem>>)
      tpu.yield
    }) : () -> ()
    %dma_start3A = arith.constant 0 : i32
    %dma_start3A_1 = arith.constant 0 : i32
    %dma_start3A_2 = tpu.memref_slice %arg6[%dma_start3A, %dma_start3A_1] : memref<40x125xi32, #tpu.memory_space<vmem>> -> memref<1x125xi32, #tpu.memory_space<vmem>>
    %dma_start3A_3 = tpu.memref_squeeze %dma_start3A_2 : memref<1x125xi32, #tpu.memory_space<vmem>> -> memref<125xi32, #tpu.memory_space<vmem>>
    %dma_start3A_4 = arith.constant 0 : i32
    %dma_start3A_5 = arith.constant 0 : i32
    %dma_start3A_6 = tpu.memref_slice %arg4[%dma_start3A_4, %dma_start3A_5] : memref<10000x128xf32, #tpu.memory_space<hbm>> -> memref<10000x128xf32, #tpu.memory_space<hbm>>
    tpu.enqueue_indirect_dma source(%dma_start3A_6 : memref<10000x128xf32, #tpu.memory_space<hbm>>) target(%arg8 : memref<125x128xf32, #tpu.memory_space<vmem>>) offsets(%dma_start3A_3 : memref<125xi32, #tpu.memory_space<vmem>>) semaphore(%arg11 : memref<!tpu.dma_semaphore, #tpu.memory_space<semaphore_mem>>)
    %dma_start3A_7 = arith.constant 1 : i32
    %dma_start3A_8 = arith.constant 0 : i32
    %dma_start3A_9 = tpu.memref_slice %arg6[%dma_start3A_7, %dma_start3A_8] : memref<40x125xi32, #tpu.memory_space<vmem>> -> memref<1x125xi32, #tpu.memory_space<vmem>>
    %dma_start3A_10 = tpu.memref_squeeze %dma_start3A_9 : memref<1x125xi32, #tpu.memory_space<vmem>> -> memref<125xi32, #tpu.memory_space<vmem>>
    %dma_start3A_11 = arith.constant 0 : i32
    %dma_start3A_12 = arith.constant 0 : i32
    %dma_start3A_13 = tpu.memref_slice %arg4[%dma_start3A_11, %dma_start3A_12] : memref<10000x128xf32, #tpu.memory_space<hbm>> -> memref<10000x128xf32, #tpu.memory_space<hbm>>
    tpu.enqueue_indirect_dma source(%dma_start3A_13 : memref<10000x128xf32, #tpu.memory_space<hbm>>) target(%arg9 : memref<125x128xf32, #tpu.memory_space<vmem>>) offsets(%dma_start3A_10 : memref<125xi32, #tpu.memory_space<vmem>>) semaphore(%arg12 : memref<!tpu.dma_semaphore, #tpu.memory_space<semaphore_mem>>)
    %lt3A = arith.constant 15 : i32
    %lt3A_14 = arith.cmpi slt, %arg1, %lt3A : i32
    %convert_element_type3A = arith.extui %lt3A_14 : i1 to i32
    %cond3A = arith.constant 0 : i32
    %cond3A_15 = arith.cmpi ne, %convert_element_type3A, %cond3A : i32
    scf.if %cond3A_15 {
      %mul3A_50 = arith.constant 640 : i32
      %mul3A_51 = arith.muli %arg1, %mul3A_50 : i32
      %mul3A_52 = arith.constant 640 : i32
      %mul3A_53 = arith.muli %arg1, %mul3A_52 : i32
      "tpu.region"() ({
        %run_scoped3A = tpu.sem_alloc : memref<!tpu.dma_semaphore, #tpu.memory_space<semaphore_mem>>
        %dma_start3A_54 = arith.constant 0 : i32
        %dma_start3A_55 = tpu.memref_slice %arg10[%mul3A_53, %dma_start3A_54] : memref<10240x128xf32, #tpu.memory_space<vmem_shared>> -> memref<640x128xf32, #tpu.memory_space<vmem_shared>>
        %dma_start3A_56 = arith.constant 0 : i32
        %dma_start3A_57 = tpu.memref_slice %arg4[%mul3A_51, %dma_start3A_56] : memref<10000x128xf32, #tpu.memory_space<hbm>> -> memref<640x128xf32, #tpu.memory_space<hbm>>
        tpu.enqueue_dma source(%dma_start3A_57 : memref<640x128xf32, #tpu.memory_space<hbm>>) target(%dma_start3A_55 : memref<640x128xf32, #tpu.memory_space<vmem_shared>>) target_semaphore(%run_scoped3A : memref<!tpu.dma_semaphore, #tpu.memory_space<semaphore_mem>>)
        %dma_wait3A = arith.constant 0 : i32
        %dma_wait3A_58 = tpu.memref_slice %arg10[%mul3A_53, %dma_wait3A] : memref<10240x128xf32, #tpu.memory_space<vmem_shared>> -> memref<640x128xf32, #tpu.memory_space<vmem_shared>>
        %dma_wait3A_59 = arith.constant 0 : i32
        %dma_wait3A_60 = tpu.memref_slice %arg4[%mul3A_51, %dma_wait3A_59] : memref<10000x128xf32, #tpu.memory_space<hbm>> -> memref<640x128xf32, #tpu.memory_space<hbm>>
        tpu.wait_dma2 semaphore(%run_scoped3A : memref<!tpu.dma_semaphore, #tpu.memory_space<semaphore_mem>>) src(%dma_wait3A_60 : memref<640x128xf32, #tpu.memory_space<hbm>>) dst(%dma_wait3A_58 : memref<640x128xf32, #tpu.memory_space<vmem_shared>>)
        tpu.yield
      }) : () -> ()
    } else {
    }
    %eq3A = arith.constant 15 : i32
    %eq3A_16 = arith.cmpi eq, %arg1, %eq3A : i32
    %convert_element_type3A_17 = arith.extui %eq3A_16 : i1 to i32
    %cond3A_18 = arith.constant 0 : i32
    %cond3A_19 = arith.cmpi ne, %convert_element_type3A_17, %cond3A_18 : i32
    scf.if %cond3A_19 {
      "tpu.region"() ({
        %run_scoped3A = tpu.sem_alloc : memref<!tpu.dma_semaphore, #tpu.memory_space<semaphore_mem>>
        %dma_start3A_50 = arith.constant 9600 : i32
        %dma_start3A_51 = arith.constant 0 : i32
        %dma_start3A_52 = tpu.memref_slice %arg10[%dma_start3A_50, %dma_start3A_51] : memref<10240x128xf32, #tpu.memory_space<vmem_shared>> -> memref<400x128xf32, #tpu.memory_space<vmem_shared>>
        %dma_start3A_53 = arith.constant 9600 : i32
        %dma_start3A_54 = arith.constant 0 : i32
        %dma_start3A_55 = tpu.memref_slice %arg4[%dma_start3A_53, %dma_start3A_54] : memref<10000x128xf32, #tpu.memory_space<hbm>> -> memref<400x128xf32, #tpu.memory_space<hbm>>
        tpu.enqueue_dma source(%dma_start3A_55 : memref<400x128xf32, #tpu.memory_space<hbm>>) target(%dma_start3A_52 : memref<400x128xf32, #tpu.memory_space<vmem_shared>>) target_semaphore(%run_scoped3A : memref<!tpu.dma_semaphore, #tpu.memory_space<semaphore_mem>>)
        %dma_wait3A = arith.constant 9600 : i32
        %dma_wait3A_56 = arith.constant 0 : i32
        %dma_wait3A_57 = tpu.memref_slice %arg10[%dma_wait3A, %dma_wait3A_56] : memref<10240x128xf32, #tpu.memory_space<vmem_shared>> -> memref<400x128xf32, #tpu.memory_space<vmem_shared>>
        %dma_wait3A_58 = arith.constant 9600 : i32
        %dma_wait3A_59 = arith.constant 0 : i32
        %dma_wait3A_60 = tpu.memref_slice %arg4[%dma_wait3A_58, %dma_wait3A_59] : memref<10000x128xf32, #tpu.memory_space<hbm>> -> memref<400x128xf32, #tpu.memory_space<hbm>>
        tpu.wait_dma2 semaphore(%run_scoped3A : memref<!tpu.dma_semaphore, #tpu.memory_space<semaphore_mem>>) src(%dma_wait3A_60 : memref<400x128xf32, #tpu.memory_space<hbm>>) dst(%dma_wait3A_57 : memref<400x128xf32, #tpu.memory_space<vmem_shared>>)
        tpu.yield
      }) : () -> ()
    } else {
    }
    %barrier3A = arith.constant 0 : index
    tpu.barrier barrier_id(%barrier3A)
    %scan3A = arith.constant 0 : i32
    %scan3A_20 = arith.constant 0 : i32
    %scan3A_21 = arith.constant 20 : i32
    %scan3A_22 = arith.addi %scan3A_20, %scan3A_21 : i32
    %scan3A_23 = arith.constant 1 : i32
    scf.for %scan3A_50 = %scan3A_20 to %scan3A_22 step %scan3A_23  : i32 {
      %mul3A_51 = arith.constant 2 : i32
      %mul3A_52 = arith.muli %scan3A_50, %mul3A_51 : i32
      %add3A_53 = arith.constant 0 : i32
      %add3A_54 = arith.addi %mul3A_52, %add3A_53 : i32
      %dma_wait3A = arith.constant 0 : i32
      %dma_wait3A_55 = tpu.memref_slice %arg6[%add3A_54, %dma_wait3A] : memref<40x125xi32, #tpu.memory_space<vmem>> -> memref<1x125xi32, #tpu.memory_space<vmem>>
      %dma_wait3A_56 = tpu.memref_squeeze %dma_wait3A_55 : memref<1x125xi32, #tpu.memory_space<vmem>> -> memref<125xi32, #tpu.memory_space<vmem>>
      %dma_wait3A_57 = arith.constant 0 : i32
      %dma_wait3A_58 = arith.constant 0 : i32
      %dma_wait3A_59 = tpu.memref_slice %arg4[%dma_wait3A_57, %dma_wait3A_58] : memref<10000x128xf32, #tpu.memory_space<hbm>> -> memref<10000x128xf32, #tpu.memory_space<hbm>>
      tpu.wait_indirect_dma semaphore(%arg11 : memref<!tpu.dma_semaphore, #tpu.memory_space<semaphore_mem>>) src(%dma_wait3A_59 : memref<10000x128xf32, #tpu.memory_space<hbm>>) dst(%arg8 : memref<125x128xf32, #tpu.memory_space<vmem>>)
      "tpu.region"() ({
        %run_scoped3A = tpu.sem_alloc : memref<!tpu.dma_semaphore, #tpu.memory_space<semaphore_mem>>
        %dma_start3A_82 = arith.constant 0 : i32
        %dma_start3A_83 = tpu.memref_slice %arg7[%add3A_54, %dma_start3A_82] : memref<40x125xi32, #tpu.memory_space<vmem>> -> memref<1x125xi32, #tpu.memory_space<vmem>>
        %dma_start3A_84 = tpu.memref_squeeze %dma_start3A_83 : memref<1x125xi32, #tpu.memory_space<vmem>> -> memref<125xi32, #tpu.memory_space<vmem>>
        %dma_start3A_85 = arith.constant 0 : i32
        %dma_start3A_86 = arith.constant 0 : i32
        %dma_start3A_87 = tpu.memref_slice %arg10[%dma_start3A_85, %dma_start3A_86] : memref<10240x128xf32, #tpu.memory_space<vmem_shared>> -> memref<10240x128xf32, #tpu.memory_space<vmem_shared>>
        tpu.enqueue_indirect_dma source(%arg8 : memref<125x128xf32, #tpu.memory_space<vmem>>) target(%dma_start3A_87 : memref<10240x128xf32, #tpu.memory_space<vmem_shared>>) offsets(%dma_start3A_84 : memref<125xi32, #tpu.memory_space<vmem>>) semaphore(%run_scoped3A : memref<!tpu.dma_semaphore, #tpu.memory_space<semaphore_mem>>) {add = true}
        %dma_wait3A_88 = arith.constant 0 : i32
        %dma_wait3A_89 = tpu.memref_slice %arg7[%add3A_54, %dma_wait3A_88] : memref<40x125xi32, #tpu.memory_space<vmem>> -> memref<1x125xi32, #tpu.memory_space<vmem>>
        %dma_wait3A_90 = tpu.memref_squeeze %dma_wait3A_89 : memref<1x125xi32, #tpu.memory_space<vmem>> -> memref<125xi32, #tpu.memory_space<vmem>>
        %dma_wait3A_91 = arith.constant 0 : i32
        %dma_wait3A_92 = arith.constant 0 : i32
        %dma_wait3A_93 = tpu.memref_slice %arg10[%dma_wait3A_91, %dma_wait3A_92] : memref<10240x128xf32, #tpu.memory_space<vmem_shared>> -> memref<10240x128xf32, #tpu.memory_space<vmem_shared>>
        tpu.wait_indirect_dma semaphore(%run_scoped3A : memref<!tpu.dma_semaphore, #tpu.memory_space<semaphore_mem>>) src(%arg8 : memref<125x128xf32, #tpu.memory_space<vmem>>) dst(%dma_wait3A_93 : memref<10240x128xf32, #tpu.memory_space<vmem_shared>>)
        tpu.yield
      }) : () -> ()
      %add3A_60 = arith.constant 2 : i32
      %add3A_61 = arith.addi %add3A_54, %add3A_60 : i32
      %lt3A_62 = arith.constant 40 : i32
      %lt3A_63 = arith.cmpi slt, %add3A_61, %lt3A_62 : i32
      %convert_element_type3A_64 = arith.extui %lt3A_63 : i1 to i32
      %cond3A_65 = arith.constant 0 : i32
      %cond3A_66 = arith.cmpi ne, %convert_element_type3A_64, %cond3A_65 : i32
      scf.if %cond3A_66 {
        %add3A_82 = arith.constant 2 : i32
        %add3A_83 = arith.addi %add3A_54, %add3A_82 : i32
        %dma_start3A_84 = arith.constant 0 : i32
        %dma_start3A_85 = tpu.memref_slice %arg6[%add3A_83, %dma_start3A_84] : memref<40x125xi32, #tpu.memory_space<vmem>> -> memref<1x125xi32, #tpu.memory_space<vmem>>
        %dma_start3A_86 = tpu.memref_squeeze %dma_start3A_85 : memref<1x125xi32, #tpu.memory_space<vmem>> -> memref<125xi32, #tpu.memory_space<vmem>>
        %dma_start3A_87 = arith.constant 0 : i32
        %dma_start3A_88 = arith.constant 0 : i32
        %dma_start3A_89 = tpu.memref_slice %arg4[%dma_start3A_87, %dma_start3A_88] : memref<10000x128xf32, #tpu.memory_space<hbm>> -> memref<10000x128xf32, #tpu.memory_space<hbm>>
        tpu.enqueue_indirect_dma source(%dma_start3A_89 : memref<10000x128xf32, #tpu.memory_space<hbm>>) target(%arg8 : memref<125x128xf32, #tpu.memory_space<vmem>>) offsets(%dma_start3A_86 : memref<125xi32, #tpu.memory_space<vmem>>) semaphore(%arg11 : memref<!tpu.dma_semaphore, #tpu.memory_space<semaphore_mem>>)
      } else {
      }
      %add3A_67 = arith.constant 1 : i32
      %add3A_68 = arith.addi %mul3A_52, %add3A_67 : i32
      %dma_wait3A_69 = arith.constant 0 : i32
      %dma_wait3A_70 = tpu.memref_slice %arg6[%add3A_68, %dma_wait3A_69] : memref<40x125xi32, #tpu.memory_space<vmem>> -> memref<1x125xi32, #tpu.memory_space<vmem>>
      %dma_wait3A_71 = tpu.memref_squeeze %dma_wait3A_70 : memref<1x125xi32, #tpu.memory_space<vmem>> -> memref<125xi32, #tpu.memory_space<vmem>>
      %dma_wait3A_72 = arith.constant 0 : i32
      %dma_wait3A_73 = arith.constant 0 : i32
      %dma_wait3A_74 = tpu.memref_slice %arg4[%dma_wait3A_72, %dma_wait3A_73] : memref<10000x128xf32, #tpu.memory_space<hbm>> -> memref<10000x128xf32, #tpu.memory_space<hbm>>
      tpu.wait_indirect_dma semaphore(%arg12 : memref<!tpu.dma_semaphore, #tpu.memory_space<semaphore_mem>>) src(%dma_wait3A_74 : memref<10000x128xf32, #tpu.memory_space<hbm>>) dst(%arg9 : memref<125x128xf32, #tpu.memory_space<vmem>>)
      "tpu.region"() ({
        %run_scoped3A = tpu.sem_alloc : memref<!tpu.dma_semaphore, #tpu.memory_space<semaphore_mem>>
        %dma_start3A_82 = arith.constant 0 : i32
        %dma_start3A_83 = tpu.memref_slice %arg7[%add3A_68, %dma_start3A_82] : memref<40x125xi32, #tpu.memory_space<vmem>> -> memref<1x125xi32, #tpu.memory_space<vmem>>
        %dma_start3A_84 = tpu.memref_squeeze %dma_start3A_83 : memref<1x125xi32, #tpu.memory_space<vmem>> -> memref<125xi32, #tpu.memory_space<vmem>>
        %dma_start3A_85 = arith.constant 0 : i32
        %dma_start3A_86 = arith.constant 0 : i32
        %dma_start3A_87 = tpu.memref_slice %arg10[%dma_start3A_85, %dma_start3A_86] : memref<10240x128xf32, #tpu.memory_space<vmem_shared>> -> memref<10240x128xf32, #tpu.memory_space<vmem_shared>>
        tpu.enqueue_indirect_dma source(%arg9 : memref<125x128xf32, #tpu.memory_space<vmem>>) target(%dma_start3A_87 : memref<10240x128xf32, #tpu.memory_space<vmem_shared>>) offsets(%dma_start3A_84 : memref<125xi32, #tpu.memory_space<vmem>>) semaphore(%run_scoped3A : memref<!tpu.dma_semaphore, #tpu.memory_space<semaphore_mem>>) {add = true}
        %dma_wait3A_88 = arith.constant 0 : i32
        %dma_wait3A_89 = tpu.memref_slice %arg7[%add3A_68, %dma_wait3A_88] : memref<40x125xi32, #tpu.memory_space<vmem>> -> memref<1x125xi32, #tpu.memory_space<vmem>>
        %dma_wait3A_90 = tpu.memref_squeeze %dma_wait3A_89 : memref<1x125xi32, #tpu.memory_space<vmem>> -> memref<125xi32, #tpu.memory_space<vmem>>
        %dma_wait3A_91 = arith.constant 0 : i32
        %dma_wait3A_92 = arith.constant 0 : i32
        %dma_wait3A_93 = tpu.memref_slice %arg10[%dma_wait3A_91, %dma_wait3A_92] : memref<10240x128xf32, #tpu.memory_space<vmem_shared>> -> memref<10240x128xf32, #tpu.memory_space<vmem_shared>>
        tpu.wait_indirect_dma semaphore(%run_scoped3A : memref<!tpu.dma_semaphore, #tpu.memory_space<semaphore_mem>>) src(%arg9 : memref<125x128xf32, #tpu.memory_space<vmem>>) dst(%dma_wait3A_93 : memref<10240x128xf32, #tpu.memory_space<vmem_shared>>)
        tpu.yield
      }) : () -> ()
      %add3A_75 = arith.constant 2 : i32
      %add3A_76 = arith.addi %add3A_68, %add3A_75 : i32
      %lt3A_77 = arith.constant 40 : i32
      %lt3A_78 = arith.cmpi slt, %add3A_76, %lt3A_77 : i32
      %convert_element_type3A_79 = arith.extui %lt3A_78 : i1 to i32
      %cond3A_80 = arith.constant 0 : i32
      %cond3A_81 = arith.cmpi ne, %convert_element_type3A_79, %cond3A_80 : i32
      scf.if %cond3A_81 {
        %add3A_82 = arith.constant 2 : i32
        %add3A_83 = arith.addi %add3A_68, %add3A_82 : i32
        %dma_start3A_84 = arith.constant 0 : i32
        %dma_start3A_85 = tpu.memref_slice %arg6[%add3A_83, %dma_start3A_84] : memref<40x125xi32, #tpu.memory_space<vmem>> -> memref<1x125xi32, #tpu.memory_space<vmem>>
        %dma_start3A_86 = tpu.memref_squeeze %dma_start3A_85 : memref<1x125xi32, #tpu.memory_space<vmem>> -> memref<125xi32, #tpu.memory_space<vmem>>
        %dma_start3A_87 = arith.constant 0 : i32
        %dma_start3A_88 = arith.constant 0 : i32
        %dma_start3A_89 = tpu.memref_slice %arg4[%dma_start3A_87, %dma_start3A_88] : memref<10000x128xf32, #tpu.memory_space<hbm>> -> memref<10000x128xf32, #tpu.memory_space<hbm>>
        tpu.enqueue_indirect_dma source(%dma_start3A_89 : memref<10000x128xf32, #tpu.memory_space<hbm>>) target(%arg9 : memref<125x128xf32, #tpu.memory_space<vmem>>) offsets(%dma_start3A_86 : memref<125xi32, #tpu.memory_space<vmem>>) semaphore(%arg12 : memref<!tpu.dma_semaphore, #tpu.memory_space<semaphore_mem>>)
      } else {
      }
    }
    %scan3A_24 = arith.constant 20 : i32
    "tpu.region"() ({
      %run_scoped3A = tpu.sem_alloc : memref<!tpu.dma_semaphore, #tpu.memory_space<semaphore_mem>>
      %dma_start3A_50 = arith.constant 40 : i32
      %dma_start3A_51 = arith.constant 0 : i32
      %dma_start3A_52 = tpu.memref_slice %arg2[%add3A, %dma_start3A_50, %dma_start3A_51] : memref<32x80x125xi32, #tpu.memory_space<hbm>> -> memref<1x40x125xi32, #tpu.memory_space<hbm>>
      %dma_start3A_53 = tpu.memref_squeeze %dma_start3A_52 : memref<1x40x125xi32, #tpu.memory_space<hbm>> -> memref<40x125xi32, #tpu.memory_space<hbm>>
      %dma_start3A_54 = arith.constant 40 : i32
      %dma_start3A_55 = arith.constant 0 : i32
      %dma_start3A_56 = tpu.memref_slice %arg2[%add3A, %dma_start3A_54, %dma_start3A_55] : memref<32x80x125xi32, #tpu.memory_space<hbm>> -> memref<1x40x125xi32, #tpu.memory_space<hbm>>
      %dma_start3A_57 = tpu.memref_squeeze %dma_start3A_56 : memref<1x40x125xi32, #tpu.memory_space<hbm>> -> memref<40x125xi32, #tpu.memory_space<hbm>>
      tpu.enqueue_dma source(%dma_start3A_57 : memref<40x125xi32, #tpu.memory_space<hbm>>) target(%arg6 : memref<40x125xi32, #tpu.memory_space<vmem>>) target_semaphore(%run_scoped3A : memref<!tpu.dma_semaphore, #tpu.memory_space<semaphore_mem>>)
      %dma_wait3A = arith.constant 40 : i32
      %dma_wait3A_58 = arith.constant 0 : i32
      %dma_wait3A_59 = tpu.memref_slice %arg2[%add3A, %dma_wait3A, %dma_wait3A_58] : memref<32x80x125xi32, #tpu.memory_space<hbm>> -> memref<1x40x125xi32, #tpu.memory_space<hbm>>
      %dma_wait3A_60 = tpu.memref_squeeze %dma_wait3A_59 : memref<1x40x125xi32, #tpu.memory_space<hbm>> -> memref<40x125xi32, #tpu.memory_space<hbm>>
      %dma_wait3A_61 = arith.constant 40 : i32
      %dma_wait3A_62 = arith.constant 0 : i32
      %dma_wait3A_63 = tpu.memref_slice %arg2[%add3A, %dma_wait3A_61, %dma_wait3A_62] : memref<32x80x125xi32, #tpu.memory_space<hbm>> -> memref<1x40x125xi32, #tpu.memory_space<hbm>>
      %dma_wait3A_64 = tpu.memref_squeeze %dma_wait3A_63 : memref<1x40x125xi32, #tpu.memory_space<hbm>> -> memref<40x125xi32, #tpu.memory_space<hbm>>
      tpu.wait_dma2 semaphore(%run_scoped3A : memref<!tpu.dma_semaphore, #tpu.memory_space<semaphore_mem>>) src(%dma_wait3A_64 : memref<40x125xi32, #tpu.memory_space<hbm>>) dst(%arg6 : memref<40x125xi32, #tpu.memory_space<vmem>>)
      tpu.yield
    }) : () -> ()
    "tpu.region"() ({
      %run_scoped3A = tpu.sem_alloc : memref<!tpu.dma_semaphore, #tpu.memory_space<semaphore_mem>>
      %dma_start3A_50 = arith.constant 40 : i32
      %dma_start3A_51 = arith.constant 0 : i32
      %dma_start3A_52 = tpu.memref_slice %arg3[%add3A, %dma_start3A_50, %dma_start3A_51] : memref<32x80x125xi32, #tpu.memory_space<hbm>> -> memref<1x40x125xi32, #tpu.memory_space<hbm>>
      %dma_start3A_53 = tpu.memref_squeeze %dma_start3A_52 : memref<1x40x125xi32, #tpu.memory_space<hbm>> -> memref<40x125xi32, #tpu.memory_space<hbm>>
      %dma_start3A_54 = arith.constant 40 : i32
      %dma_start3A_55 = arith.constant 0 : i32
      %dma_start3A_56 = tpu.memref_slice %arg3[%add3A, %dma_start3A_54, %dma_start3A_55] : memref<32x80x125xi32, #tpu.memory_space<hbm>> -> memref<1x40x125xi32, #tpu.memory_space<hbm>>
      %dma_start3A_57 = tpu.memref_squeeze %dma_start3A_56 : memref<1x40x125xi32, #tpu.memory_space<hbm>> -> memref<40x125xi32, #tpu.memory_space<hbm>>
      tpu.enqueue_dma source(%dma_start3A_57 : memref<40x125xi32, #tpu.memory_space<hbm>>) target(%arg7 : memref<40x125xi32, #tpu.memory_space<vmem>>) target_semaphore(%run_scoped3A : memref<!tpu.dma_semaphore, #tpu.memory_space<semaphore_mem>>)
      %dma_wait3A = arith.constant 40 : i32
      %dma_wait3A_58 = arith.constant 0 : i32
      %dma_wait3A_59 = tpu.memref_slice %arg3[%add3A, %dma_wait3A, %dma_wait3A_58] : memref<32x80x125xi32, #tpu.memory_space<hbm>> -> memref<1x40x125xi32, #tpu.memory_space<hbm>>
      %dma_wait3A_60 = tpu.memref_squeeze %dma_wait3A_59 : memref<1x40x125xi32, #tpu.memory_space<hbm>> -> memref<40x125xi32, #tpu.memory_space<hbm>>
      %dma_wait3A_61 = arith.constant 40 : i32
      %dma_wait3A_62 = arith.constant 0 : i32
      %dma_wait3A_63 = tpu.memref_slice %arg3[%add3A, %dma_wait3A_61, %dma_wait3A_62] : memref<32x80x125xi32, #tpu.memory_space<hbm>> -> memref<1x40x125xi32, #tpu.memory_space<hbm>>
      %dma_wait3A_64 = tpu.memref_squeeze %dma_wait3A_63 : memref<1x40x125xi32, #tpu.memory_space<hbm>> -> memref<40x125xi32, #tpu.memory_space<hbm>>
      tpu.wait_dma2 semaphore(%run_scoped3A : memref<!tpu.dma_semaphore, #tpu.memory_space<semaphore_mem>>) src(%dma_wait3A_64 : memref<40x125xi32, #tpu.memory_space<hbm>>) dst(%arg7 : memref<40x125xi32, #tpu.memory_space<vmem>>)
      tpu.yield
    }) : () -> ()
    %dma_start3A_25 = arith.constant 0 : i32
    %dma_start3A_26 = arith.constant 0 : i32
    %dma_start3A_27 = tpu.memref_slice %arg6[%dma_start3A_25, %dma_start3A_26] : memref<40x125xi32, #tpu.memory_space<vmem>> -> memref<1x125xi32, #tpu.memory_space<vmem>>
    %dma_start3A_28 = tpu.memref_squeeze %dma_start3A_27 : memref<1x125xi32, #tpu.memory_space<vmem>> -> memref<125xi32, #tpu.memory_space<vmem>>
    %dma_start3A_29 = arith.constant 0 : i32
    %dma_start3A_30 = arith.constant 0 : i32
    %dma_start3A_31 = tpu.memref_slice %arg4[%dma_start3A_29, %dma_start3A_30] : memref<10000x128xf32, #tpu.memory_space<hbm>> -> memref<10000x128xf32, #tpu.memory_space<hbm>>
    tpu.enqueue_indirect_dma source(%dma_start3A_31 : memref<10000x128xf32, #tpu.memory_space<hbm>>) target(%arg8 : memref<125x128xf32, #tpu.memory_space<vmem>>) offsets(%dma_start3A_28 : memref<125xi32, #tpu.memory_space<vmem>>) semaphore(%arg11 : memref<!tpu.dma_semaphore, #tpu.memory_space<semaphore_mem>>)
    %dma_start3A_32 = arith.constant 1 : i32
    %dma_start3A_33 = arith.constant 0 : i32
    %dma_start3A_34 = tpu.memref_slice %arg6[%dma_start3A_32, %dma_start3A_33] : memref<40x125xi32, #tpu.memory_space<vmem>> -> memref<1x125xi32, #tpu.memory_space<vmem>>
    %dma_start3A_35 = tpu.memref_squeeze %dma_start3A_34 : memref<1x125xi32, #tpu.memory_space<vmem>> -> memref<125xi32, #tpu.memory_space<vmem>>
    %dma_start3A_36 = arith.constant 0 : i32
    %dma_start3A_37 = arith.constant 0 : i32
    %dma_start3A_38 = tpu.memref_slice %arg4[%dma_start3A_36, %dma_start3A_37] : memref<10000x128xf32, #tpu.memory_space<hbm>> -> memref<10000x128xf32, #tpu.memory_space<hbm>>
    tpu.enqueue_indirect_dma source(%dma_start3A_38 : memref<10000x128xf32, #tpu.memory_space<hbm>>) target(%arg9 : memref<125x128xf32, #tpu.memory_space<vmem>>) offsets(%dma_start3A_35 : memref<125xi32, #tpu.memory_space<vmem>>) semaphore(%arg12 : memref<!tpu.dma_semaphore, #tpu.memory_space<semaphore_mem>>)
    %scan3A_39 = arith.constant 0 : i32
    %scan3A_40 = arith.constant 0 : i32
    %scan3A_41 = arith.constant 20 : i32
    %scan3A_42 = arith.addi %scan3A_40, %scan3A_41 : i32
    %scan3A_43 = arith.constant 1 : i32
    scf.for %scan3A_50 = %scan3A_40 to %scan3A_42 step %scan3A_43  : i32 {
      %mul3A_51 = arith.constant 2 : i32
      %mul3A_52 = arith.muli %scan3A_50, %mul3A_51 : i32
      %add3A_53 = arith.constant 0 : i32
      %add3A_54 = arith.addi %mul3A_52, %add3A_53 : i32
      %dma_wait3A = arith.constant 0 : i32
      %dma_wait3A_55 = tpu.memref_slice %arg6[%add3A_54, %dma_wait3A] : memref<40x125xi32, #tpu.memory_space<vmem>> -> memref<1x125xi32, #tpu.memory_space<vmem>>
      %dma_wait3A_56 = tpu.memref_squeeze %dma_wait3A_55 : memref<1x125xi32, #tpu.memory_space<vmem>> -> memref<125xi32, #tpu.memory_space<vmem>>
      %dma_wait3A_57 = arith.constant 0 : i32
      %dma_wait3A_58 = arith.constant 0 : i32
      %dma_wait3A_59 = tpu.memref_slice %arg4[%dma_wait3A_57, %dma_wait3A_58] : memref<10000x128xf32, #tpu.memory_space<hbm>> -> memref<10000x128xf32, #tpu.memory_space<hbm>>
      tpu.wait_indirect_dma semaphore(%arg11 : memref<!tpu.dma_semaphore, #tpu.memory_space<semaphore_mem>>) src(%dma_wait3A_59 : memref<10000x128xf32, #tpu.memory_space<hbm>>) dst(%arg8 : memref<125x128xf32, #tpu.memory_space<vmem>>)
      "tpu.region"() ({
        %run_scoped3A = tpu.sem_alloc : memref<!tpu.dma_semaphore, #tpu.memory_space<semaphore_mem>>
        %dma_start3A_82 = arith.constant 0 : i32
        %dma_start3A_83 = tpu.memref_slice %arg7[%add3A_54, %dma_start3A_82] : memref<40x125xi32, #tpu.memory_space<vmem>> -> memref<1x125xi32, #tpu.memory_space<vmem>>
        %dma_start3A_84 = tpu.memref_squeeze %dma_start3A_83 : memref<1x125xi32, #tpu.memory_space<vmem>> -> memref<125xi32, #tpu.memory_space<vmem>>
        %dma_start3A_85 = arith.constant 0 : i32
        %dma_start3A_86 = arith.constant 0 : i32
        %dma_start3A_87 = tpu.memref_slice %arg10[%dma_start3A_85, %dma_start3A_86] : memref<10240x128xf32, #tpu.memory_space<vmem_shared>> -> memref<10240x128xf32, #tpu.memory_space<vmem_shared>>
        tpu.enqueue_indirect_dma source(%arg8 : memref<125x128xf32, #tpu.memory_space<vmem>>) target(%dma_start3A_87 : memref<10240x128xf32, #tpu.memory_space<vmem_shared>>) offsets(%dma_start3A_84 : memref<125xi32, #tpu.memory_space<vmem>>) semaphore(%run_scoped3A : memref<!tpu.dma_semaphore, #tpu.memory_space<semaphore_mem>>) {add = true}
        %dma_wait3A_88 = arith.constant 0 : i32
        %dma_wait3A_89 = tpu.memref_slice %arg7[%add3A_54, %dma_wait3A_88] : memref<40x125xi32, #tpu.memory_space<vmem>> -> memref<1x125xi32, #tpu.memory_space<vmem>>
        %dma_wait3A_90 = tpu.memref_squeeze %dma_wait3A_89 : memref<1x125xi32, #tpu.memory_space<vmem>> -> memref<125xi32, #tpu.memory_space<vmem>>
        %dma_wait3A_91 = arith.constant 0 : i32
        %dma_wait3A_92 = arith.constant 0 : i32
        %dma_wait3A_93 = tpu.memref_slice %arg10[%dma_wait3A_91, %dma_wait3A_92] : memref<10240x128xf32, #tpu.memory_space<vmem_shared>> -> memref<10240x128xf32, #tpu.memory_space<vmem_shared>>
        tpu.wait_indirect_dma semaphore(%run_scoped3A : memref<!tpu.dma_semaphore, #tpu.memory_space<semaphore_mem>>) src(%arg8 : memref<125x128xf32, #tpu.memory_space<vmem>>) dst(%dma_wait3A_93 : memref<10240x128xf32, #tpu.memory_space<vmem_shared>>)
        tpu.yield
      }) : () -> ()
      %add3A_60 = arith.constant 2 : i32
      %add3A_61 = arith.addi %add3A_54, %add3A_60 : i32
      %lt3A_62 = arith.constant 40 : i32
      %lt3A_63 = arith.cmpi slt, %add3A_61, %lt3A_62 : i32
      %convert_element_type3A_64 = arith.extui %lt3A_63 : i1 to i32
      %cond3A_65 = arith.constant 0 : i32
      %cond3A_66 = arith.cmpi ne, %convert_element_type3A_64, %cond3A_65 : i32
      scf.if %cond3A_66 {
        %add3A_82 = arith.constant 2 : i32
        %add3A_83 = arith.addi %add3A_54, %add3A_82 : i32
        %dma_start3A_84 = arith.constant 0 : i32
        %dma_start3A_85 = tpu.memref_slice %arg6[%add3A_83, %dma_start3A_84] : memref<40x125xi32, #tpu.memory_space<vmem>> -> memref<1x125xi32, #tpu.memory_space<vmem>>
        %dma_start3A_86 = tpu.memref_squeeze %dma_start3A_85 : memref<1x125xi32, #tpu.memory_space<vmem>> -> memref<125xi32, #tpu.memory_space<vmem>>
        %dma_start3A_87 = arith.constant 0 : i32
        %dma_start3A_88 = arith.constant 0 : i32
        %dma_start3A_89 = tpu.memref_slice %arg4[%dma_start3A_87, %dma_start3A_88] : memref<10000x128xf32, #tpu.memory_space<hbm>> -> memref<10000x128xf32, #tpu.memory_space<hbm>>
        tpu.enqueue_indirect_dma source(%dma_start3A_89 : memref<10000x128xf32, #tpu.memory_space<hbm>>) target(%arg8 : memref<125x128xf32, #tpu.memory_space<vmem>>) offsets(%dma_start3A_86 : memref<125xi32, #tpu.memory_space<vmem>>) semaphore(%arg11 : memref<!tpu.dma_semaphore, #tpu.memory_space<semaphore_mem>>)
      } else {
      }
      %add3A_67 = arith.constant 1 : i32
      %add3A_68 = arith.addi %mul3A_52, %add3A_67 : i32
      %dma_wait3A_69 = arith.constant 0 : i32
      %dma_wait3A_70 = tpu.memref_slice %arg6[%add3A_68, %dma_wait3A_69] : memref<40x125xi32, #tpu.memory_space<vmem>> -> memref<1x125xi32, #tpu.memory_space<vmem>>
      %dma_wait3A_71 = tpu.memref_squeeze %dma_wait3A_70 : memref<1x125xi32, #tpu.memory_space<vmem>> -> memref<125xi32, #tpu.memory_space<vmem>>
      %dma_wait3A_72 = arith.constant 0 : i32
      %dma_wait3A_73 = arith.constant 0 : i32
      %dma_wait3A_74 = tpu.memref_slice %arg4[%dma_wait3A_72, %dma_wait3A_73] : memref<10000x128xf32, #tpu.memory_space<hbm>> -> memref<10000x128xf32, #tpu.memory_space<hbm>>
      tpu.wait_indirect_dma semaphore(%arg12 : memref<!tpu.dma_semaphore, #tpu.memory_space<semaphore_mem>>) src(%dma_wait3A_74 : memref<10000x128xf32, #tpu.memory_space<hbm>>) dst(%arg9 : memref<125x128xf32, #tpu.memory_space<vmem>>)
      "tpu.region"() ({
        %run_scoped3A = tpu.sem_alloc : memref<!tpu.dma_semaphore, #tpu.memory_space<semaphore_mem>>
        %dma_start3A_82 = arith.constant 0 : i32
        %dma_start3A_83 = tpu.memref_slice %arg7[%add3A_68, %dma_start3A_82] : memref<40x125xi32, #tpu.memory_space<vmem>> -> memref<1x125xi32, #tpu.memory_space<vmem>>
        %dma_start3A_84 = tpu.memref_squeeze %dma_start3A_83 : memref<1x125xi32, #tpu.memory_space<vmem>> -> memref<125xi32, #tpu.memory_space<vmem>>
        %dma_start3A_85 = arith.constant 0 : i32
        %dma_start3A_86 = arith.constant 0 : i32
        %dma_start3A_87 = tpu.memref_slice %arg10[%dma_start3A_85, %dma_start3A_86] : memref<10240x128xf32, #tpu.memory_space<vmem_shared>> -> memref<10240x128xf32, #tpu.memory_space<vmem_shared>>
        tpu.enqueue_indirect_dma source(%arg9 : memref<125x128xf32, #tpu.memory_space<vmem>>) target(%dma_start3A_87 : memref<10240x128xf32, #tpu.memory_space<vmem_shared>>) offsets(%dma_start3A_84 : memref<125xi32, #tpu.memory_space<vmem>>) semaphore(%run_scoped3A : memref<!tpu.dma_semaphore, #tpu.memory_space<semaphore_mem>>) {add = true}
        %dma_wait3A_88 = arith.constant 0 : i32
        %dma_wait3A_89 = tpu.memref_slice %arg7[%add3A_68, %dma_wait3A_88] : memref<40x125xi32, #tpu.memory_space<vmem>> -> memref<1x125xi32, #tpu.memory_space<vmem>>
        %dma_wait3A_90 = tpu.memref_squeeze %dma_wait3A_89 : memref<1x125xi32, #tpu.memory_space<vmem>> -> memref<125xi32, #tpu.memory_space<vmem>>
        %dma_wait3A_91 = arith.constant 0 : i32
        %dma_wait3A_92 = arith.constant 0 : i32
        %dma_wait3A_93 = tpu.memref_slice %arg10[%dma_wait3A_91, %dma_wait3A_92] : memref<10240x128xf32, #tpu.memory_space<vmem_shared>> -> memref<10240x128xf32, #tpu.memory_space<vmem_shared>>
        tpu.wait_indirect_dma semaphore(%run_scoped3A : memref<!tpu.dma_semaphore, #tpu.memory_space<semaphore_mem>>) src(%arg9 : memref<125x128xf32, #tpu.memory_space<vmem>>) dst(%dma_wait3A_93 : memref<10240x128xf32, #tpu.memory_space<vmem_shared>>)
        tpu.yield
      }) : () -> ()
      %add3A_75 = arith.constant 2 : i32
      %add3A_76 = arith.addi %add3A_68, %add3A_75 : i32
      %lt3A_77 = arith.constant 40 : i32
      %lt3A_78 = arith.cmpi slt, %add3A_76, %lt3A_77 : i32
      %convert_element_type3A_79 = arith.extui %lt3A_78 : i1 to i32
      %cond3A_80 = arith.constant 0 : i32
      %cond3A_81 = arith.cmpi ne, %convert_element_type3A_79, %cond3A_80 : i32
      scf.if %cond3A_81 {
        %add3A_82 = arith.constant 2 : i32
        %add3A_83 = arith.addi %add3A_68, %add3A_82 : i32
        %dma_start3A_84 = arith.constant 0 : i32
        %dma_start3A_85 = tpu.memref_slice %arg6[%add3A_83, %dma_start3A_84] : memref<40x125xi32, #tpu.memory_space<vmem>> -> memref<1x125xi32, #tpu.memory_space<vmem>>
        %dma_start3A_86 = tpu.memref_squeeze %dma_start3A_85 : memref<1x125xi32, #tpu.memory_space<vmem>> -> memref<125xi32, #tpu.memory_space<vmem>>
        %dma_start3A_87 = arith.constant 0 : i32
        %dma_start3A_88 = arith.constant 0 : i32
        %dma_start3A_89 = tpu.memref_slice %arg4[%dma_start3A_87, %dma_start3A_88] : memref<10000x128xf32, #tpu.memory_space<hbm>> -> memref<10000x128xf32, #tpu.memory_space<hbm>>
        tpu.enqueue_indirect_dma source(%dma_start3A_89 : memref<10000x128xf32, #tpu.memory_space<hbm>>) target(%arg9 : memref<125x128xf32, #tpu.memory_space<vmem>>) offsets(%dma_start3A_86 : memref<125xi32, #tpu.memory_space<vmem>>) semaphore(%arg12 : memref<!tpu.dma_semaphore, #tpu.memory_space<semaphore_mem>>)
      } else {
      }
    }
    %scan3A_44 = arith.constant 20 : i32
    %barrier3A_45 = arith.constant 0 : index
    tpu.barrier barrier_id(%barrier3A_45)
    %mul3A_46 = arith.constant 640 : i32
    %mul3A_47 = arith.muli %arg1, %mul3A_46 : i32
    %mul3A_48 = arith.constant 640 : i32
    %mul3A_49 = arith.muli %arg1, %mul3A_48 : i32
    "tpu.region"() ({
      %run_scoped3A = tpu.sem_alloc : memref<!tpu.dma_semaphore, #tpu.memory_space<semaphore_mem>>
      %dma_start3A_50 = arith.constant 0 : i32
      %dma_start3A_51 = tpu.memref_slice %arg5[%arg0, %mul3A_49, %dma_start3A_50] : memref<2x10240x128xf32, #tpu.memory_space<hbm>> -> memref<1x640x128xf32, #tpu.memory_space<hbm>>
      %dma_start3A_52 = tpu.memref_squeeze %dma_start3A_51 : memref<1x640x128xf32, #tpu.memory_space<hbm>> -> memref<640x128xf32, #tpu.memory_space<hbm>>
      %dma_start3A_53 = arith.constant 0 : i32
      %dma_start3A_54 = tpu.memref_slice %arg10[%mul3A_47, %dma_start3A_53] : memref<10240x128xf32, #tpu.memory_space<vmem_shared>> -> memref<640x128xf32, #tpu.memory_space<vmem_shared>>
      tpu.enqueue_dma source(%dma_start3A_54 : memref<640x128xf32, #tpu.memory_space<vmem_shared>>) target(%dma_start3A_52 : memref<640x128xf32, #tpu.memory_space<hbm>>) target_semaphore(%run_scoped3A : memref<!tpu.dma_semaphore, #tpu.memory_space<semaphore_mem>>)
      %dma_wait3A = arith.constant 0 : i32
      %dma_wait3A_55 = tpu.memref_slice %arg5[%arg0, %mul3A_49, %dma_wait3A] : memref<2x10240x128xf32, #tpu.memory_space<hbm>> -> memref<1x640x128xf32, #tpu.memory_space<hbm>>
      %dma_wait3A_56 = tpu.memref_squeeze %dma_wait3A_55 : memref<1x640x128xf32, #tpu.memory_space<hbm>> -> memref<640x128xf32, #tpu.memory_space<hbm>>
      %dma_wait3A_57 = arith.constant 0 : i32
      %dma_wait3A_58 = tpu.memref_slice %arg10[%mul3A_47, %dma_wait3A_57] : memref<10240x128xf32, #tpu.memory_space<vmem_shared>> -> memref<640x128xf32, #tpu.memory_space<vmem_shared>>
      tpu.wait_dma2 semaphore(%run_scoped3A : memref<!tpu.dma_semaphore, #tpu.memory_space<semaphore_mem>>) src(%dma_wait3A_58 : memref<640x128xf32, #tpu.memory_space<vmem_shared>>) dst(%dma_wait3A_56 : memref<640x128xf32, #tpu.memory_space<hbm>>)
      tpu.yield
    }) : () -> ()
    return
  }
}

module attributes {stable_mosaic.version = 14 : i64} {
  func.func @_mlp_mid_body(%arg0: i32, %arg1: memref<2560x128xf32, #tpu.memory_space<vmem>>, %arg2: memref<2x2560x128xf32, #tpu.memory_space<vmem>>, %arg3: memref<128x128xf32, #tpu.memory_space<vmem>>, %arg4: memref<1x128xf32, #tpu.memory_space<vmem>>, %arg5: memref<128x128xf32, #tpu.memory_space<vmem>>, %arg6: memref<1x128xf32, #tpu.memory_space<vmem>>, %arg7: memref<2560x128xf32, #tpu.memory_space<vmem>>) attributes {dimension_semantics = [#tpu.dimension_semantics<arbitrary>], iteration_bounds = array<i64: 4>, scalar_prefetch = 0 : i64, scratch_operands = 0 : i64, tpu.core_type = #tpu.core_type<tc>, window_params = [{transform_indices = @transform_0, window_bounds = array<i64: 2560, 128>}, {transform_indices = @transform_1, window_bounds = array<i64: 2, 2560, 128>}, {pipeline_mode = #tpu.pipeline_mode<synchronous>, transform_indices = @transform_2, window_bounds = array<i64: 128, 128>}, {pipeline_mode = #tpu.pipeline_mode<synchronous>, transform_indices = @transform_3, window_bounds = array<i64: 1, 128>}, {pipeline_mode = #tpu.pipeline_mode<synchronous>, transform_indices = @transform_4, window_bounds = array<i64: 128, 128>}, {pipeline_mode = #tpu.pipeline_mode<synchronous>, transform_indices = @transform_5, window_bounds = array<i64: 1, 128>}, {transform_indices = @transform_6, window_bounds = array<i64: 2560, 128>}]} {
    %get3A = arith.constant 0 : index
    %get3A_0 = arith.constant 0 : index
    %get3A_1 = arith.constant 0 : index
    %get3A_2 = vector.load %arg2[%get3A, %get3A_0, %get3A_1] : memref<2x2560x128xf32, #tpu.memory_space<vmem>>, vector<1x2560x128xf32>
    %get3A_3 = vector.shape_cast %get3A_2 : vector<1x2560x128xf32> to vector<2560x128xf32>
    %get3A_4 = arith.constant 1 : index
    %get3A_5 = arith.constant 0 : index
    %get3A_6 = arith.constant 0 : index
    %get3A_7 = vector.load %arg2[%get3A_4, %get3A_5, %get3A_6] : memref<2x2560x128xf32, #tpu.memory_space<vmem>>, vector<1x2560x128xf32>
    %get3A_8 = vector.shape_cast %get3A_7 : vector<1x2560x128xf32> to vector<2560x128xf32>
    %add3A = arith.addf %get3A_3, %get3A_8 : vector<2560x128xf32>
    %get3A_9 = arith.constant 0 : index
    %get3A_10 = arith.constant 0 : index
    %get3A_11 = vector.load %arg1[%get3A_9, %get3A_10] : memref<2560x128xf32, #tpu.memory_space<vmem>>, vector<2560x128xf32>
    %sub3A = arith.subf %add3A, %get3A_11 : vector<2560x128xf32>
    %get3A_12 = arith.constant 0 : index
    %get3A_13 = arith.constant 0 : index
    %get3A_14 = vector.load %arg3[%get3A_12, %get3A_13] : memref<128x128xf32, #tpu.memory_space<vmem>>, vector<128x128xf32>
    %dot_general3A = arith.constant dense<0.000000e+00> : vector<2560x128xf32>
    %dot_general3A_15 = tpu.matmul %sub3A, %get3A_14, %dot_general3A {dimension_numbers = #tpu.dot_dimension_numbers<[1], [0], [0], [1], [0, 0, 1, 1], [], []>, transpose_lhs_hint = false} : vector<2560x128xf32>, vector<128x128xf32>, vector<2560x128xf32> -> vector<2560x128xf32>
    %get3A_16 = arith.constant 0 : index
    %get3A_17 = arith.constant 0 : index
    %get3A_18 = vector.load %arg4[%get3A_16, %get3A_17] : memref<1x128xf32, #tpu.memory_space<vmem>>, vector<1x128xf32>
    %add3A_19 = vector.broadcast %get3A_18 : vector<1x128xf32> to vector<2560x128xf32>
    %add3A_20 = arith.addf %dot_general3A_15, %add3A_19 : vector<2560x128xf32>
    %max3A = arith.constant 0.000000e+00 : f32
    %max3A_21 = vector.broadcast %max3A : f32 to vector<2560x128xf32>
    %max3A_22 = arith.maximumf %add3A_20, %max3A_21 : vector<2560x128xf32>
    %get3A_23 = arith.constant 0 : index
    %get3A_24 = arith.constant 0 : index
    %get3A_25 = vector.load %arg5[%get3A_23, %get3A_24] : memref<128x128xf32, #tpu.memory_space<vmem>>, vector<128x128xf32>
    %dot_general3A_26 = arith.constant dense<0.000000e+00> : vector<2560x128xf32>
    %dot_general3A_27 = tpu.matmul %max3A_22, %get3A_25, %dot_general3A_26 {dimension_numbers = #tpu.dot_dimension_numbers<[1], [0], [0], [1], [0, 0, 1, 1], [], []>, transpose_lhs_hint = false} : vector<2560x128xf32>, vector<128x128xf32>, vector<2560x128xf32> -> vector<2560x128xf32>
    %get3A_28 = arith.constant 0 : index
    %get3A_29 = arith.constant 0 : index
    %get3A_30 = vector.load %arg6[%get3A_28, %get3A_29] : memref<1x128xf32, #tpu.memory_space<vmem>>, vector<1x128xf32>
    %add3A_31 = vector.broadcast %get3A_30 : vector<1x128xf32> to vector<2560x128xf32>
    %add3A_32 = arith.addf %dot_general3A_27, %add3A_31 : vector<2560x128xf32>
    %max3A_33 = arith.constant 0.000000e+00 : f32
    %max3A_34 = vector.broadcast %max3A_33 : f32 to vector<2560x128xf32>
    %max3A_35 = arith.maximumf %add3A_32, %max3A_34 : vector<2560x128xf32>
    %swap3A = arith.constant 0 : index
    %swap3A_36 = arith.constant 0 : index
    %swap3A_37 = vector.load %arg7[%swap3A, %swap3A_36] : memref<2560x128xf32, #tpu.memory_space<vmem>>, vector<2560x128xf32>
    tpu.vector_store %arg7[%swap3A, %swap3A_36], %max3A_35 {strides = array<i32>} : memref<2560x128xf32, #tpu.memory_space<vmem>>, vector<2560x128xf32>,
    return
  }
  func.func @transform_0(%arg0: i32) -> (i32, i32) {
    %c0_i32 = arith.constant 0 : i32
    %c0_i32_0 = arith.constant 0 : i32
    return %arg0, %c0_i32 : i32, i32
  }
  func.func @transform_1(%arg0: i32) -> (i32, i32, i32) {
    %c0_i32 = arith.constant 0 : i32
    %c0_i32_0 = arith.constant 0 : i32
    %c0_i32_1 = arith.constant 0 : i32
    return %c0_i32, %arg0, %c0_i32_0 : i32, i32, i32
  }
  func.func @transform_2(%arg0: i32) -> (i32, i32) {
    %c0_i32 = arith.constant 0 : i32
    %c0_i32_0 = arith.constant 0 : i32
    %c0_i32_1 = arith.constant 0 : i32
    return %c0_i32, %c0_i32_0 : i32, i32
  }
  func.func @transform_3(%arg0: i32) -> (i32, i32) {
    %c0_i32 = arith.constant 0 : i32
    %c0_i32_0 = arith.constant 0 : i32
    %c0_i32_1 = arith.constant 0 : i32
    return %c0_i32, %c0_i32_0 : i32, i32
  }
  func.func @transform_4(%arg0: i32) -> (i32, i32) {
    %c0_i32 = arith.constant 0 : i32
    %c0_i32_0 = arith.constant 0 : i32
    %c0_i32_1 = arith.constant 0 : i32
    return %c0_i32, %c0_i32_0 : i32, i32
  }
  func.func @transform_5(%arg0: i32) -> (i32, i32) {
    %c0_i32 = arith.constant 0 : i32
    %c0_i32_0 = arith.constant 0 : i32
    %c0_i32_1 = arith.constant 0 : i32
    return %c0_i32, %c0_i32_0 : i32, i32
  }
  func.func @transform_6(%arg0: i32) -> (i32, i32) {
    %c0_i32 = arith.constant 0 : i32
    %c0_i32_0 = arith.constant 0 : i32
    return %arg0, %c0_i32 : i32, i32
  }
}

module attributes {stable_mosaic.version = 14 : i64} {
  func.func @_mlp_last_body(%arg0: i32, %arg1: memref<2560x128xf32, #tpu.memory_space<vmem>>, %arg2: memref<2x2560x128xf32, #tpu.memory_space<vmem>>, %arg3: memref<128x128xf32, #tpu.memory_space<vmem>>, %arg4: memref<1x128xf32, #tpu.memory_space<vmem>>, %arg5: memref<128x128xf32, #tpu.memory_space<vmem>>, %arg6: memref<1x128xf32, #tpu.memory_space<vmem>>, %arg7: memref<128x64xf32, #tpu.memory_space<vmem>>, %arg8: memref<1x64xf32, #tpu.memory_space<vmem>>, %arg9: memref<2560x64xf32, #tpu.memory_space<vmem>>) attributes {dimension_semantics = [#tpu.dimension_semantics<arbitrary>], iteration_bounds = array<i64: 4>, scalar_prefetch = 0 : i64, scratch_operands = 0 : i64, tpu.core_type = #tpu.core_type<tc>, window_params = [{transform_indices = @transform_0, window_bounds = array<i64: 2560, 128>}, {transform_indices = @transform_1, window_bounds = array<i64: 2, 2560, 128>}, {pipeline_mode = #tpu.pipeline_mode<synchronous>, transform_indices = @transform_2, window_bounds = array<i64: 128, 128>}, {pipeline_mode = #tpu.pipeline_mode<synchronous>, transform_indices = @transform_3, window_bounds = array<i64: 1, 128>}, {pipeline_mode = #tpu.pipeline_mode<synchronous>, transform_indices = @transform_4, window_bounds = array<i64: 128, 128>}, {pipeline_mode = #tpu.pipeline_mode<synchronous>, transform_indices = @transform_5, window_bounds = array<i64: 1, 128>}, {pipeline_mode = #tpu.pipeline_mode<synchronous>, transform_indices = @transform_6, window_bounds = array<i64: 128, 64>}, {pipeline_mode = #tpu.pipeline_mode<synchronous>, transform_indices = @transform_7, window_bounds = array<i64: 1, 64>}, {transform_indices = @transform_8, window_bounds = array<i64: 2560, 64>}]} {
    %get3A = arith.constant 0 : index
    %get3A_0 = arith.constant 0 : index
    %get3A_1 = arith.constant 0 : index
    %get3A_2 = vector.load %arg2[%get3A, %get3A_0, %get3A_1] : memref<2x2560x128xf32, #tpu.memory_space<vmem>>, vector<1x2560x128xf32>
    %get3A_3 = vector.shape_cast %get3A_2 : vector<1x2560x128xf32> to vector<2560x128xf32>
    %get3A_4 = arith.constant 1 : index
    %get3A_5 = arith.constant 0 : index
    %get3A_6 = arith.constant 0 : index
    %get3A_7 = vector.load %arg2[%get3A_4, %get3A_5, %get3A_6] : memref<2x2560x128xf32, #tpu.memory_space<vmem>>, vector<1x2560x128xf32>
    %get3A_8 = vector.shape_cast %get3A_7 : vector<1x2560x128xf32> to vector<2560x128xf32>
    %add3A = arith.addf %get3A_3, %get3A_8 : vector<2560x128xf32>
    %get3A_9 = arith.constant 0 : index
    %get3A_10 = arith.constant 0 : index
    %get3A_11 = vector.load %arg1[%get3A_9, %get3A_10] : memref<2560x128xf32, #tpu.memory_space<vmem>>, vector<2560x128xf32>
    %sub3A = arith.subf %add3A, %get3A_11 : vector<2560x128xf32>
    %get3A_12 = arith.constant 0 : index
    %get3A_13 = arith.constant 0 : index
    %get3A_14 = vector.load %arg3[%get3A_12, %get3A_13] : memref<128x128xf32, #tpu.memory_space<vmem>>, vector<128x128xf32>
    %dot_general3A = arith.constant dense<0.000000e+00> : vector<2560x128xf32>
    %dot_general3A_15 = tpu.matmul %sub3A, %get3A_14, %dot_general3A {dimension_numbers = #tpu.dot_dimension_numbers<[1], [0], [0], [1], [0, 0, 1, 1], [], []>, transpose_lhs_hint = false} : vector<2560x128xf32>, vector<128x128xf32>, vector<2560x128xf32> -> vector<2560x128xf32>
    %get3A_16 = arith.constant 0 : index
    %get3A_17 = arith.constant 0 : index
    %get3A_18 = vector.load %arg4[%get3A_16, %get3A_17] : memref<1x128xf32, #tpu.memory_space<vmem>>, vector<1x128xf32>
    %add3A_19 = vector.broadcast %get3A_18 : vector<1x128xf32> to vector<2560x128xf32>
    %add3A_20 = arith.addf %dot_general3A_15, %add3A_19 : vector<2560x128xf32>
    %max3A = arith.constant 0.000000e+00 : f32
    %max3A_21 = vector.broadcast %max3A : f32 to vector<2560x128xf32>
    %max3A_22 = arith.maximumf %add3A_20, %max3A_21 : vector<2560x128xf32>
    %get3A_23 = arith.constant 0 : index
    %get3A_24 = arith.constant 0 : index
    %get3A_25 = vector.load %arg5[%get3A_23, %get3A_24] : memref<128x128xf32, #tpu.memory_space<vmem>>, vector<128x128xf32>
    %dot_general3A_26 = arith.constant dense<0.000000e+00> : vector<2560x128xf32>
    %dot_general3A_27 = tpu.matmul %max3A_22, %get3A_25, %dot_general3A_26 {dimension_numbers = #tpu.dot_dimension_numbers<[1], [0], [0], [1], [0, 0, 1, 1], [], []>, transpose_lhs_hint = false} : vector<2560x128xf32>, vector<128x128xf32>, vector<2560x128xf32> -> vector<2560x128xf32>
    %get3A_28 = arith.constant 0 : index
    %get3A_29 = arith.constant 0 : index
    %get3A_30 = vector.load %arg6[%get3A_28, %get3A_29] : memref<1x128xf32, #tpu.memory_space<vmem>>, vector<1x128xf32>
    %add3A_31 = vector.broadcast %get3A_30 : vector<1x128xf32> to vector<2560x128xf32>
    %add3A_32 = arith.addf %dot_general3A_27, %add3A_31 : vector<2560x128xf32>
    %max3A_33 = arith.constant 0.000000e+00 : f32
    %max3A_34 = vector.broadcast %max3A_33 : f32 to vector<2560x128xf32>
    %max3A_35 = arith.maximumf %add3A_32, %max3A_34 : vector<2560x128xf32>
    %get3A_36 = arith.constant 0 : index
    %get3A_37 = arith.constant 0 : index
    %get3A_38 = vector.load %arg7[%get3A_36, %get3A_37] : memref<128x64xf32, #tpu.memory_space<vmem>>, vector<128x64xf32>
    %dot_general3A_39 = arith.constant dense<0.000000e+00> : vector<2560x64xf32>
    %dot_general3A_40 = tpu.matmul %max3A_35, %get3A_38, %dot_general3A_39 {dimension_numbers = #tpu.dot_dimension_numbers<[1], [0], [0], [1], [0, 0, 1, 1], [], []>, transpose_lhs_hint = false} : vector<2560x128xf32>, vector<128x64xf32>, vector<2560x64xf32> -> vector<2560x64xf32>
    %get3A_41 = arith.constant 0 : index
    %get3A_42 = arith.constant 0 : index
    %get3A_43 = vector.load %arg8[%get3A_41, %get3A_42] : memref<1x64xf32, #tpu.memory_space<vmem>>, vector<1x64xf32>
    %add3A_44 = vector.broadcast %get3A_43 : vector<1x64xf32> to vector<2560x64xf32>
    %add3A_45 = arith.addf %dot_general3A_40, %add3A_44 : vector<2560x64xf32>
    %swap3A = arith.constant 0 : index
    %swap3A_46 = arith.constant 0 : index
    %swap3A_47 = vector.load %arg9[%swap3A, %swap3A_46] : memref<2560x64xf32, #tpu.memory_space<vmem>>, vector<2560x64xf32>
    tpu.vector_store %arg9[%swap3A, %swap3A_46], %add3A_45 {strides = array<i32>} : memref<2560x64xf32, #tpu.memory_space<vmem>>, vector<2560x64xf32>,
    return
  }
  func.func @transform_0(%arg0: i32) -> (i32, i32) {
    %c0_i32 = arith.constant 0 : i32
    %c0_i32_0 = arith.constant 0 : i32
    return %arg0, %c0_i32 : i32, i32
  }
  func.func @transform_1(%arg0: i32) -> (i32, i32, i32) {
    %c0_i32 = arith.constant 0 : i32
    %c0_i32_0 = arith.constant 0 : i32
    %c0_i32_1 = arith.constant 0 : i32
    return %c0_i32, %arg0, %c0_i32_0 : i32, i32, i32
  }
  func.func @transform_2(%arg0: i32) -> (i32, i32) {
    %c0_i32 = arith.constant 0 : i32
    %c0_i32_0 = arith.constant 0 : i32
    %c0_i32_1 = arith.constant 0 : i32
    return %c0_i32, %c0_i32_0 : i32, i32
  }
  func.func @transform_3(%arg0: i32) -> (i32, i32) {
    %c0_i32 = arith.constant 0 : i32
    %c0_i32_0 = arith.constant 0 : i32
    %c0_i32_1 = arith.constant 0 : i32
    return %c0_i32, %c0_i32_0 : i32, i32
  }
  func.func @transform_4(%arg0: i32) -> (i32, i32) {
    %c0_i32 = arith.constant 0 : i32
    %c0_i32_0 = arith.constant 0 : i32
    %c0_i32_1 = arith.constant 0 : i32
    return %c0_i32, %c0_i32_0 : i32, i32
  }
  func.func @transform_5(%arg0: i32) -> (i32, i32) {
    %c0_i32 = arith.constant 0 : i32
    %c0_i32_0 = arith.constant 0 : i32
    %c0_i32_1 = arith.constant 0 : i32
    return %c0_i32, %c0_i32_0 : i32, i32
  }
  func.func @transform_6(%arg0: i32) -> (i32, i32) {
    %c0_i32 = arith.constant 0 : i32
    %c0_i32_0 = arith.constant 0 : i32
    %c0_i32_1 = arith.constant 0 : i32
    return %c0_i32, %c0_i32_0 : i32, i32
  }
  func.func @transform_7(%arg0: i32) -> (i32, i32) {
    %c0_i32 = arith.constant 0 : i32
    %c0_i32_0 = arith.constant 0 : i32
    %c0_i32_1 = arith.constant 0 : i32
    return %c0_i32, %c0_i32_0 : i32, i32
  }
  func.func @transform_8(%arg0: i32) -> (i32, i32) {
    %c0_i32 = arith.constant 0 : i32
    %c0_i32_0 = arith.constant 0 : i32
    return %arg0, %c0_i32 : i32, i32
  }
}

</mosaic_0001>

<sc_bundles>
// kernel: kernel.6.cloned.1.call-start
scs
__scs_entry_jumppad:
0x0: {  	(pc) =	sbr.rel $0x88, $3  }
0x1: {  	(tag) =	ssettag $0x0;
	lr =	simm.s32 $0x1  }
0x2: {  	[smem:$0x3F95] =	sst lr;
	_ =	strace $0xD0000000  }
0x3: {  	_ = 	snop  }
0x4: {  	_ = 	snop  }
0x5: {  	_ = 	snop  }
0x6: {  	_ = 	snop  }
0x7: {  	_ = 	snop  }
__scs_overlays_trampoline_lowered:
0x8: {  	[smem:$0x3FA4] =	sst s0  }
0x9: {  	[smem:$0x3FA5] =	sst s1  }
0xa: {  	[smem:$0x3FA6] =	sst s2  }
0xb: {  	[smem:$0x3FA7] =	sst s3  }
0xc: {  	[smem:$0x3FA8] =	sst s4  }
0xd: {  	[smem:$0x3FA9] =	sst s5  }
0xe: {  	[smem:$0x3FAA] =	sst s6  }
0xf: {  	[smem:$0x3FAB] =	sst s7  }
0x10: {  	[smem:$0x3FAC] =	sst s8  }
0x11: {  	[smem:$0x3FAD] =	sst s9;
	s0 =	simm.s32 @!p0 $0x0  }
0x12: {  	s1 =	sld [smem:$0x3F93];
	s0 =	simm.s32 @p0 $0x1  }
0x13: {  	[smem:$0x3FAE] =	sst s0;
	s0 =	simm.s32 @!p1 $0x0  }
0x14: {  	s2 =	sld [smem:$0x3F92];
	s0 =	simm.s32 @p1 $0x1  }
0x15: {  	[smem:$0x3FAF] =	sst s0;
	s0 =	simm.s32 @!p2 $0x0  }
0x16: {  	s3 =	sld [smem:$0x3FDB];
	s0 =	simm.s32 @p2 $0x1  }
0x17: {  	s4 =	simm.s32 $0x1BF5;
	[smem:$0x3FB1] =	sst s0  }
0x18: {  	s0 =	sld [smem:$0x3F94];
	_ =	swait.ge [sflag:s4], $0x0  }
0x19: {  	s7 =	sld [smem:$0x3F95]  }
0x1a: {  	s8 =	sadd.s32 $0xFFFFE003, lr  }
0x1b: {  	s9 =	sadd.s32 $0xFFFFFEF7, lr;
	s5 =	simm.s32 $0xFFFFFFFF;
	p2 =	slt.u32 s8, $0xFFFFF086  }
0x1c: {  	p1 =	slt.u32 s9, $0xF7A;
	s5 =	simm.s32 @!p2 $0x0  }
0x1d: {  	s5 =	simm.s32 @p1 $0x1;
	p0 =	seq.s32 s7, s2  }
0x1e: {  	s7 =	smul.u32 @!p0 $0xF7A, s2;
	p2 =	seq.s32 @!p0 s5, $0x0  }
0x1f: {  	s9 =	smul.u32 $0xF7A, s1;
	s8 =	simm.s32 @!p0 $0x1BF5;
	p2 =	por !p2, p0  }
0x20: {  	[sflag:s8] =	ssyncset.s32 @!p0 $0xFFFFF086;
	s6 =	sadd.s32 @!p0 s3, s7;
	s7 =	simm.s32 @!p0 $0x108  }
0x21: {  	s3 =	sadd.s32 s3, s9;
	s6 =	sadd.s32 @!p0 $0x88, s6;
	s7 =	simm.s32 @p2 $0x1082  }
0x22: {  	[simem:s7], [sflag:s8] =	dma.local @!p0 [hbm:s6], $0xF7A  }
0x23: {  	s9 =	sor.u32 $0xD0000000, s2;
	s6 =	simm.s32 $0x108;
	_ =	swait.ge @!p0 [sflag:s8], $0x0  }
0x24: {  	s3 =	sadd.s32 $0x88, s3;
	s6 =	simm.s32 @!p1 $0x1082;
	[sflag:s4] =	ssyncset.s32 $0xFFFFF086  }
0x25: {  	[simem:s6], [sflag:s4] =	dma.local [hbm:s3], $0xF7A  }
0x26: {  	[smem:$0x3F95] =	sst s1;
	(tag) =	ssettag s2;
	_ =	strace s9  }
0x27: {  	s1 =	sld [smem:$0x3FA5]  }
0x28: {  	s2 =	sld [smem:$0x3FA6]  }
0x29: {  	s4 =	sld [smem:$0x3FA8]  }
0x2a: {  	p0 =	seq.s32 s5, $0x0;
	s5 =	sld [smem:$0x3FA9]  }
0x2b: {  	s6 =	sld [smem:$0x3FAA]  }
0x2c: {  	s7 =	sld [smem:$0x3FAB]  }
0x2d: {  	s3 =	simm.s32 $0x108;
	s8 =	sld [smem:$0x3FAC]  }
0x2e: {  	s3 =	simm.s32 @!p0 $0x1082;
	s9 =	sld [smem:$0x3FAD]  }
0x2f: {  	lr =	sadd.s32 s0, s3;
	s0 =	sld [smem:$0x3FA4]  }
0x30: {  	s3 =	sld [smem:$0x3FA7]  }
0x31: {  	[smem:$0x3FB0] =	sst s10  }
0x32: {  	s10 =	sld [smem:$0x3FAE];
	_ =	sdelay $0x3  }
0x33: {  	p0 =	seq.s32 s10, $0x1;
	s10 =	sld [smem:$0x3FB0];
	_ =	sdelay $0x3  }
0x34: {  	[smem:$0x3FB0] =	sst s10  }
0x35: {  	s10 =	sld [smem:$0x3FAF];
	_ =	sdelay $0x3  }
0x36: {  	p1 =	seq.s32 s10, $0x1;
	s10 =	sld [smem:$0x3FB0];
	_ =	sdelay $0x3  }
0x37: {  	[smem:$0x3FB0] =	sst s10  }
0x38: {  	s10 =	sld [smem:$0x3FB1]  }
0x39: {  	_ = 	snop;
	(pc) =	sbr.ind lr, $3  }
0x3a: {  	_ = 	snop  }
0x3b: {  	_ = 	snop  }
0x3c: {  	p2 =	seq.s32 s10, $0x1;
	s10 =	sld [smem:$0x3FB0]  }
0x3d: {  	_ =	shalt  }
0x3e: {  	_ =	shalt  }
0x3f: {  	_ =	shalt  }
0x40: {  	_ =	shalt  }
0x41: {  	_ =	shalt  }
0x42: {  	_ =	shalt  }
0x43: {  	_ =	shalt  }
0x44: {  	_ =	shalt  }
0x45: {  	_ =	shalt  }
0x46: {  	_ =	shalt  }
0x47: {  	_ =	shalt  }
0x48: {  	_ =	shalt  }
0x49: {  	_ =	shalt  }
0x4a: {  	_ =	shalt  }
0x4b: {  	_ =	shalt  }
0x4c: {  	_ =	shalt  }
0x4d: {  	_ =	shalt  }
0x4e: {  	_ =	shalt  }
0x4f: {  	_ =	shalt  }
0x50: {  	_ =	shalt  }
0x51: {  	_ =	shalt  }
0x52: {  	_ =	shalt  }
0x53: {  	_ =	shalt  }
0x54: {  	_ =	shalt  }
0x55: {  	_ =	shalt  }
0x56: {  	_ =	shalt  }
0x57: {  	_ =	shalt  }
0x58: {  	_ =	shalt  }
0x59: {  	_ =	shalt  }
0x5a: {  	_ =	shalt  }
0x5b: {  	_ =	shalt  }
0x5c: {  	_ =	shalt  }
0x5d: {  	_ =	shalt  }
0x5e: {  	_ =	shalt  }
0x5f: {  	_ =	shalt  }
0x60: {  	_ =	shalt  }
0x61: {  	_ =	shalt  }
0x62: {  	_ =	shalt  }
0x63: {  	_ =	shalt  }
0x64: {  	_ =	shalt  }
0x65: {  	_ =	shalt  }
0x66: {  	_ =	shalt  }
0x67: {  	_ =	shalt  }
0x68: {  	_ =	shalt  }
0x69: {  	_ =	shalt  }
0x6a: {  	_ =	shalt  }
0x6b: {  	_ =	shalt  }
0x6c: {  	_ =	shalt  }
0x6d: {  	_ =	shalt  }
0x6e: {  	_ =	shalt  }
0x6f: {  	_ =	shalt  }
0x70: {  	_ =	shalt  }
0x71: {  	_ =	shalt  }
0x72: {  	_ =	shalt  }
0x73: {  	_ =	shalt  }
0x74: {  	_ =	shalt  }
0x75: {  	_ =	shalt  }
0x76: {  	_ =	shalt  }
0x77: {  	_ =	shalt  }
0x78: {  	_ =	shalt  }
0x79: {  	_ =	shalt  }
0x7a: {  	_ =	shalt  }
0x7b: {  	_ =	shalt  }
0x7c: {  	_ =	shalt  }
0x7d: {  	_ =	shalt  }
0x7e: {  	_ =	shalt  }
0x7f: {  	_ =	shalt  }
0x80: {  	_ =	shalt  }
0x81: {  	_ =	shalt  }
0x82: {  	_ =	shalt  }
0x83: {  	_ =	shalt  }
0x84: {  	_ =	shalt  }
0x85: {  	_ =	shalt  }
0x86: {  	_ =	shalt  }
0x87: {  	_ =	shalt  }
.Lfunc_end0:
.L_simem_size_0:
called_computation_lowered:
.L_overlay_start_0:
0x88: {  	s2 =	sld [smem:$0x3FD9]  }
0x89: {  	s3 =	sld [smem:$0x3FFE];
	_ =	sdelay $0x1  }
0x8a: {  	s1 =	srdreg.scid  }
0x8b: {  	s0 =	sand.u32 $0x1, s1  }
0x8c: {  	s17 =	sshll.u32 s0, $0xA;
	s2 =	sadd.s32 s3, s2  }
0x8d: {  	s2 =	sadd.s32 s2, s17  }
0x8e: {  	[smem:$0x3FBC] =	sst s2  }
0x8f: {  	_ = 	snop  }
0x90: {  	s2 =	sld [smem:$0x3FC9]  }
0x91: {  	s18 =	sld [smem:$0x3FD0];
	(tm) =	ssettm $0x1  }
0x92: {  	s4 =	sld [smem:$0x3FFB];
	_ =	sdelay $0x3  }
0x93: {  	_ =	strace s4  }
0x94: {  	s4 =	sld [smem:$0x3FFC];
	_ =	sdelay $0x3  }
0x95: {  	_ =	strace s4  }
0x96: {  	s4 =	sld [smem:$0x3FFD];
	_ =	sdelay $0x3  }
0x97: {  	_ =	strace s4  }
0x98: {  	_ =	strace $0x8FFFFFFF  }
0x99: {  	s19 =	sld [smem:$0x3FDB];
	_ =	sdelay $0x1  }
0x9a: {  	s5 =	simm.s32 $_scs_section_size  }
0x9b: {  	s6 =	simm.s32 $_size__tile_overlayer_lowered;
	s7 =	simm.s32 $_tile_overlayer_lowered  }
0x9c: {  	s22 =	simm.s32 $0x1BFF;
	s21 =	sshll.u32 s7, $0x1;
	s4 =	sadd.s32 s5, s19  }
0x9d: {  	s8 =	simm.s32 $0x0;
	s20 =	sshll.u32 s6, $0x1;
	s6 =	sadd.s32 s21, s4  }
0x9e: {  	[timem:s8], [sflag:s22] =	dma.local [hbm:s6], s20  }
0x9f: {  	_ =	swait.ge [sflag:s22], s20  }
0xa0: {  	s5 =	ssub.s32 $0x0, s20;
	[sflag:s22] =	ssyncset.done $0x0  }
0xa1: {  	[sflag:s22] =	ssyncadd.s32 s5;
	_ =	sdelay $0x1  }
0xa2: {  	s23 =	simm.s32 $0x1B8B  }
0xa3: {  	_ =	swait.ge [sflag:s23], $0x1  }
0xa4: {  	[sflag:s23] =	ssyncset.done $0x0  }
0xa5: {  	s25 =	simm.s32 $0x1B8E;
	s24 =	sld [smem:$0x3FFE];
	[sflag:s23] =	ssyncadd.s32 $0xFFFFFFFF  }
0xa6: {  	s26 =	simm.s32 $execute0_lowered;
	[smem:$0x3FD2] =	sst s25  }
0xa7: {  	s6 =	sshll.u32 s26, $0x1;
	_ =	strace $0x80000046;
	[dreg:$0x1] =	wrdreg $0xFFFFFFFF  }
0xa8: {  	s28 =	simm.s32 $_size_execute0_lowered;
	s4 =	sadd.s32 s4, s6;
	[dreg:$0x0] =	wrdreg $0x0  }
0xa9: {  	s6 =	sshll.u32 s28, $0x1;
	[dreg:$0x2] =	wrdreg s4  }
0xaa: {  	[dreg:$0x3] =	wrdreg s6  }
0xab: {  	[dreg:$0x4] =	wrdreg $0xC0  }
0xac: {  	_ =	task [dreg:s8], $0x5FFFF  }
0xad: {  	[dreg:$0x1] =	wrdreg $0xFFFFFFFF  }
0xae: {  	[dreg:$0x0] =	wrdreg $0x60  }
0xaf: {  	[dreg:$0x2] =	wrdreg s18  }
0xb0: {  	[dreg:$0x3] =	wrdreg s24  }
0xb1: {  	[dreg:$0x4] =	wrdreg s2  }
0xb2: {  	[dreg:$0x5] =	wrdreg $0xA8000  }
0xb3: {  	[dreg:$0x6] =	wrdreg $0x9  }
0xb4: {  	_ =	task.clear_ibuf [dreg:s8], $0x7FFFF;
	_ =	strace $0x90000046  }
0xb5: {  	s29 =	simm.s32 $0x9;
	_ =	strace $0x80000048  }
0xb6: {  	_ =	swait.ge [sflag:s29], $0x1  }
0xb7: {  	[sflag:s29] =	ssyncadd.s32 $0xFFFFFFFF  }
0xb8: {  	_ =	strace $0x90000048  }
0xb9: {  	_ =	sfence  }
0xba: {  	s30 =	sld [smem:$0x0];
	_ =	sdelay $0x2  }
0xbb: {  	s31 =	sshll.u32 s1, $0xD;
	s1 =	sshrl.u32 s1, $0x2  }
0xbc: {  	s3 =	sand.u32 $0x4000, s31;
	s1 =	sadd.s32 s1, s30  }
0xbd: {  	s0 =	sor.u32 s3, s0;
	s1 =	sshll.u32 s1, $0x11  }
0xbe: {  	s0 =	sor.u32 s1, s0  }
0xbf: {  	s0 =	sadd.s32 $0x8F2B, s0  }
0xc0: {  	[sflag:s0] =	ssyncadd.remote.s32 $0x1  }
0xc1: {  	_ =	sfence.sel $0xFFFF  }
0xc2: {  	[dreg:$0x0] =	wrdreg $0xFFFFFFFF;
	(pc) =	sbr.abs _section_cstart, $3  }
0xc3: {  	[dreg:$0x1] =	wrdreg $0xFFFFFFFF  }
0xc4: {  	_ =	task.clear_ibuf [dreg:s8], $0x2FFFF;
	_ =	strace $0x9FFFFFFF  }
0xc5: {  	(tm) =	ssettm $0x7FFFFFFF  }
tec
execute0_lowered:
.L_overlay_start_1:
0x0: {  	(tag) =	ssettag $0x1  }
0x1: {  	s10 =	rddreg [dreg:$0x0]  }
0x2: {  	s5 =	rddreg [dreg:$0x1]  }
0x3: {  	s1 =	rddreg [dreg:$0x2]  }
0x4: {  	s2 =	rddreg [dreg:$0x3]  }
0x5: {  	s3 =	srdreg.scid;
	s0 =	rddreg [dreg:$0x4]  }
0x6: {  	s4 =	simm.s32 $0x0;
	s15 =	simm.s32 $0x1400;
	s16 =	simm.s32 $0x7D  }
0x7: {  	s17 =	simm.s32 $0x2800;
	s18 =	simm.s32 $0x80;
	s19 =	simm.s32 $0x6800  }
0x8: {  	s23 =	simm.s32 $0x1;
	s6 =	sand.u32 $0x1, s3;
	s3 =	stileid.u32  }
0x9: {  	s28 =	simm.s32 $0x0;
	[smem:$0x7FF] =	sst s4;
	s7 =	smul.u32 $0x140000, s6  }
0xa: {  	s12 =	sadd.s32 $0x2400, s5;
	s20 =	sadd.s32 $0x12C000, s2;
	s8 =	smul.u32 $0x14000, s3  }
0xb: {  	s9 =	sshll.u32 s6, $0x4;
	_ =	strace $0x80000047;
	s11 =	smul.u32 $0x50000, s3  }
0xc: {  	s6 =	ssub.s32 $0x2, s6;
	s30 =	smul.u32 $0x2800, s3;
	p0 =	seq.s32 s3, $0xF  }
0xd: {  	s9 =	sor.u32 s3, s9;
	s25 =	sshrl.u32 s6, $0x1;
	s21 =	sshll.u32 @!p0 s3, $0x6  }
0xe: {  	s20 =	sshrl.u32 @p0 s20, $0x3;
	s7 =	sadd.s32 s8, s7;
	s24 =	smul.u32 $0x2800, s9  }
0xf: {  	s14 =	ssub.s32 s6, s25;
	s29 =	sshrl.u32 s11, $0x2;
	s8 =	sadd.s32 s1, s30  }
0x10: {  	s9 =	sadd.s32 $0x25800, s1;
	s21 =	sor.u32 @!p0 $0x1C03, s21;
	s7 =	sshrl.u32 s7, $0x3  }
0x11: {  	s25 =	simm.s32 $0x2700;
	s13 =	sadd.s32 s7, s5;
	s26 =	sshrl.u32 s24, $0x3  }
0x12: {  	s7 =	sadd.s32 s29, s2;
	s24 =	simm.s32 $0x2;
	s5 =	sadd.s32 s10, s26  }
0x13: {  	s6 =	sadd.s32 s12, s26;
	s31 =	sadd.s32 $0x280, s26;
	s22 =	sshrl.u32 @!p0 s7, $0x3  }
0x14: {  	s26 =	simm.s32 $0x2780;
	s10 =	sadd.s32 s10, s31;
	s11 =	sadd.s32 s12, s31  }
0x15: {  	s12 =	sadd.s32 $0xC400, s13;
	s13 =	smax.u32 s14, $0x1;
	s14 =	simm.s32 $0x3  }
.LBB2_1:
0x16: {  	[tilespmem:s4], [sflag:$0x3] =	stream.linear.gather [hbm4b:s5+s4], $0x1400, $0x38;
	[tilespmem:$0x1E800] =	vst v63  }
0x17: {  	_ =	swait.ge [sflag:s14], $0x1400  }
0x18: {  	[sflag:s14] =	ssyncset.done $0x0  }
0x19: {  	[sflag:s14] =	ssyncadd.s32 $0xFFFFEC00  }
0x1a: {  	[tilespmem:s15], [sflag:$0x3] =	stream.linear.gather [hbm4b:s6+s4], $0x1400, $0x38;
	[tilespmem:$0x1E800] =	vst v63  }
0x1b: {  	_ =	swait.ge [sflag:s14], $0x1400  }
0x1c: {  	[sflag:s14] =	ssyncset.done $0x0  }
0x1d: {  	[sflag:s14] =	ssyncadd.s32 $0xFFFFEC00  }
0x1e: {  	[tilespmem:s17], [sflag:$0x1] =	stream.indirect.gather [hbm4b:s1+s16], $0x80, s4, s16, $0xb8;
	[tilespmem:$0x1E800] =	vst v63  }
0x1f: {  	s29 =	simm.s32 @p0 $0x1FC3  }
0x20: {  	[tilespmem:s19], [sflag:$0x2] =	stream.indirect.gather [hbm4b:s1+s16], $0x80, s18, s16, $0xb8;
	[tilespmem:$0x1E800] =	vst v63  }
0x21: {  	[spmem:s20], [sflag:s29] =	dma.local @p0 [hbm:s9], $0x1900  }
0x22: {  	s29 =	simm.s32 @p0 $0x3  }
0x23: {  	_ =	swait.ge @p0 [sflag:s29], $0x1900  }
0x24: {  	[sflag:s29] =	ssyncset.done @p0 $0x0  }
0x25: {  	[sflag:s29] =	ssyncadd.s32 @p0 $0xFFFFE700;
	s29 =	simm.s32 @!p0 $0x3  }
0x26: {  	[spmem:s22], [sflag:s21] =	dma.local @!p0 [hbm:s8], $0x2800  }
0x27: {  	_ =	swait.ge @!p0 [sflag:s29], $0x2800  }
0x28: {  	[sflag:s29] =	ssyncset.done @!p0 $0x0  }
0x29: {  	[sflag:s29] =	ssyncadd.s32 @!p0 $0xFFFFD800  }
0x2a: {  	[bflag:$0x0] =	sbarrier.arrive $0xFFFF  }
0x2b: {  	_ =	swait.ge [sflag:s23], $0x3E80  }
0x2c: {  	[sflag:s23] =	ssyncset.done $0x0  }
0x2d: {  	s29 =	simm.s32 $0x1400;
	[sflag:s23] =	ssyncadd.s32 $0xFFFFC180  }
0x2e: {  	[spmem:s2] =	stream.indirect.scatter.add.f32 [tilespmem:s17], [sflag:$0x3], $0x80, s29, s16, $0xb8;
	[tilespmem:$0x1E800] =	vst v63  }
0x2f: {  	_ =	swait.ge [sflag:s14], $0x3E80  }
0x30: {  	[sflag:s14] =	ssyncset.done $0x0  }
0x31: {  	s29 =	simm.s32 $0x100;
	[sflag:s14] =	ssyncadd.s32 $0xFFFFC180  }
0x32: {  	[tilespmem:s17], [sflag:$0x1] =	stream.indirect.gather [hbm4b:s1+s16], $0x80, s29, s16, $0xb8;
	[tilespmem:$0x1E800] =	vst v63  }
0x33: {  	_ =	swait.ge [sflag:s24], $0x3E80  }
0x34: {  	[sflag:s24] =	ssyncset.done $0x0  }
0x35: {  	s29 =	simm.s32 $0x1480;
	[sflag:s24] =	ssyncadd.s32 $0xFFFFC180  }
0x36: {  	[spmem:s2] =	stream.indirect.scatter.add.f32 [tilespmem:s19], [sflag:$0x3], $0x80, s29, s16, $0xb8;
	[tilespmem:$0x1E800] =	vst v63  }
0x37: {  	_ =	swait.ge [sflag:s14], $0x3E80  }
0x38: {  	[sflag:s14] =	ssyncset.done $0x0  }
0x39: {  	s30 =	simm.s32 $0x180;
	s29 =	simm.s32 $0x400;
	[sflag:s14] =	ssyncadd.s32 $0xFFFFC180  }
.LBB2_2:
0x3a: {  	[tilespmem:s19], [sflag:$0x2] =	stream.indirect.gather [hbm4b:s1+s16], $0x80, s30, s16, $0xb8;
	[tilespmem:$0x1E800] =	vst v63  }
0x3b: {  	s30 =	smov.u32 s29  }
0x3c: {  	p1 =	sne.s32 s29, $0x4800;
	s29 =	sadd.s32 $0x400, s29;
	_ =	swait.ge [sflag:s23], $0x3E80  }
0x3d: {  	s30 =	sshra.s32 s30, $0x2;
	[sflag:s23] =	ssyncset.done $0x0  }
0x3e: {  	s31 =	sadd.s32 $0x1400, s30;
	[sflag:s23] =	ssyncadd.s32 $0xFFFFC180  }
0x3f: {  	[spmem:s2] =	stream.indirect.scatter.add.f32 [tilespmem:s17], [sflag:$0x3], $0x80, s31, s16, $0xb8;
	[tilespmem:$0x1E800] =	vst v63  }
0x40: {  	_ =	swait.ge [sflag:s14], $0x3E80  }
0x41: {  	[sflag:s14] =	ssyncset.done $0x0  }
0x42: {  	s31 =	sadd.s32 $0x100, s30;
	[sflag:s14] =	ssyncadd.s32 $0xFFFFC180  }
0x43: {  	[tilespmem:s17], [sflag:$0x1] =	stream.indirect.gather [hbm4b:s1+s16], $0x80, s31, s16, $0xb8;
	[tilespmem:$0x1E800] =	vst v63  }
0x44: {  	_ =	swait.ge [sflag:s24], $0x3E80  }
0x45: {  	[sflag:s24] =	ssyncset.done $0x0  }
.Ltmp0:
0x46: {  	s31 =	sadd.s32 $0x1480, s30;
	[sflag:s24] =	ssyncadd.s32 $0xFFFFC180;
	(pc) =	sbr.rel @p1 .LBB2_2-.Ltmp0, $4  }
0x47: {  	[spmem:s2] =	stream.indirect.scatter.add.f32 [tilespmem:s19], [sflag:$0x3], $0x80, s31, s16, $0xb8;
	[tilespmem:$0x1E800] =	vst v63  }
0x48: {  	_ =	swait.ge [sflag:s14], $0x3E80  }
0x49: {  	[sflag:s14] =	ssyncset.done $0x0  }
0x4a: {  	s30 =	sadd.s32 $0x180, s30;
	[sflag:s14] =	ssyncadd.s32 $0xFFFFC180  }
0x4b: {  	[tilespmem:s19], [sflag:$0x2] =	stream.indirect.gather [hbm4b:s1+s16], $0x80, s30, s16, $0xb8;
	[tilespmem:$0x1E800] =	vst v63  }
0x4c: {  	_ =	swait.ge [sflag:s23], $0x3E80  }
0x4d: {  	[sflag:s23] =	ssyncset.done $0x0  }
0x4e: {  	[sflag:s23] =	ssyncadd.s32 $0xFFFFC180  }
0x4f: {  	[spmem:s2] =	stream.indirect.scatter.add.f32 [tilespmem:s17], [sflag:$0x3], $0x80, s25, s16, $0xb8;
	[tilespmem:$0x1E800] =	vst v63  }
0x50: {  	_ =	swait.ge [sflag:s14], $0x3E80  }
0x51: {  	[sflag:s14] =	ssyncset.done $0x0  }
0x52: {  	[sflag:s14] =	ssyncadd.s32 $0xFFFFC180  }
0x53: {  	_ =	swait.ge [sflag:s24], $0x3E80  }
0x54: {  	[sflag:s24] =	ssyncset.done $0x0  }
0x55: {  	[sflag:s24] =	ssyncadd.s32 $0xFFFFC180  }
0x56: {  	[spmem:s2] =	stream.indirect.scatter.add.f32 [tilespmem:s19], [sflag:$0x3], $0x80, s26, s16, $0xb8;
	[tilespmem:$0x1E800] =	vst v63  }
0x57: {  	_ =	swait.ge [sflag:s14], $0x3E80  }
0x58: {  	[sflag:s14] =	ssyncset.done $0x0  }
0x59: {  	s29 =	simm.s32 $0x0;
	[sflag:s14] =	ssyncadd.s32 $0xFFFFC180  }
0x5a: {  	[tilespmem:s29], [sflag:$0x3] =	stream.linear.gather [hbm4b:s10+s29], $0x1400, $0x38;
	[tilespmem:$0x1E800] =	vst v63  }
0x5b: {  	_ =	swait.ge [sflag:s14], $0x1400  }
0x5c: {  	[sflag:s14] =	ssyncset.done $0x0  }
0x5d: {  	[sflag:s14] =	ssyncadd.s32 $0xFFFFEC00  }
0x5e: {  	[tilespmem:s15], [sflag:$0x3] =	stream.linear.gather [hbm4b:s11+s29], $0x1400, $0x38;
	[tilespmem:$0x1E800] =	vst v63  }
0x5f: {  	_ =	swait.ge [sflag:s14], $0x1400  }
0x60: {  	[sflag:s14] =	ssyncset.done $0x0  }
0x61: {  	[sflag:s14] =	ssyncadd.s32 $0xFFFFEC00  }
0x62: {  	[tilespmem:s17], [sflag:$0x1] =	stream.indirect.gather [hbm4b:s1+s16], $0x80, s29, s16, $0xb8;
	[tilespmem:$0x1E800] =	vst v63  }
0x63: {  	_ = 	snop  }
0x64: {  	[tilespmem:s19], [sflag:$0x2] =	stream.indirect.gather [hbm4b:s1+s16], $0x80, s18, s16, $0xb8;
	[tilespmem:$0x1E800] =	vst v63  }
0x65: {  	_ =	swait.ge [sflag:s23], $0x3E80  }
0x66: {  	[sflag:s23] =	ssyncset.done $0x0  }
0x67: {  	s29 =	simm.s32 $0x1400;
	[sflag:s23] =	ssyncadd.s32 $0xFFFFC180  }
0x68: {  	[spmem:s2] =	stream.indirect.scatter.add.f32 [tilespmem:s17], [sflag:$0x3], $0x80, s29, s16, $0xb8;
	[tilespmem:$0x1E800] =	vst v63  }
0x69: {  	_ =	swait.ge [sflag:s14], $0x3E80  }
0x6a: {  	[sflag:s14] =	ssyncset.done $0x0  }
0x6b: {  	s29 =	simm.s32 $0x100;
	[sflag:s14] =	ssyncadd.s32 $0xFFFFC180  }
0x6c: {  	[tilespmem:s17], [sflag:$0x1] =	stream.indirect.gather [hbm4b:s1+s16], $0x80, s29, s16, $0xb8;
	[tilespmem:$0x1E800] =	vst v63  }
0x6d: {  	_ =	swait.ge [sflag:s24], $0x3E80  }
0x6e: {  	[sflag:s24] =	ssyncset.done $0x0  }
0x6f: {  	s29 =	simm.s32 $0x1480;
	[sflag:s24] =	ssyncadd.s32 $0xFFFFC180  }
0x70: {  	[spmem:s2] =	stream.indirect.scatter.add.f32 [tilespmem:s19], [sflag:$0x3], $0x80, s29, s16, $0xb8;
	[tilespmem:$0x1E800] =	vst v63  }
0x71: {  	_ =	swait.ge [sflag:s14], $0x3E80  }
0x72: {  	[sflag:s14] =	ssyncset.done $0x0  }
0x73: {  	s30 =	simm.s32 $0x180;
	s29 =	simm.s32 $0x400;
	[sflag:s14] =	ssyncadd.s32 $0xFFFFC180  }
.LBB2_4:
0x74: {  	[tilespmem:s19], [sflag:$0x2] =	stream.indirect.gather [hbm4b:s1+s16], $0x80, s30, s16, $0xb8;
	[tilespmem:$0x1E800] =	vst v63  }
0x75: {  	s30 =	smov.u32 s29  }
0x76: {  	p1 =	sne.s32 s29, $0x4800;
	s29 =	sadd.s32 $0x400, s29;
	_ =	swait.ge [sflag:s23], $0x3E80  }
0x77: {  	s30 =	sshra.s32 s30, $0x2;
	[sflag:s23] =	ssyncset.done $0x0  }
0x78: {  	s31 =	sadd.s32 $0x1400, s30;
	[sflag:s23] =	ssyncadd.s32 $0xFFFFC180  }
0x79: {  	[spmem:s2] =	stream.indirect.scatter.add.f32 [tilespmem:s17], [sflag:$0x3], $0x80, s31, s16, $0xb8;
	[tilespmem:$0x1E800] =	vst v63  }
0x7a: {  	_ =	swait.ge [sflag:s14], $0x3E80  }
0x7b: {  	[sflag:s14] =	ssyncset.done $0x0  }
0x7c: {  	s31 =	sadd.s32 $0x100, s30;
	[sflag:s14] =	ssyncadd.s32 $0xFFFFC180  }
0x7d: {  	[tilespmem:s17], [sflag:$0x1] =	stream.indirect.gather [hbm4b:s1+s16], $0x80, s31, s16, $0xb8;
	[tilespmem:$0x1E800] =	vst v63  }
0x7e: {  	_ =	swait.ge [sflag:s24], $0x3E80  }
0x7f: {  	[sflag:s24] =	ssyncset.done $0x0  }
.Ltmp1:
0x80: {  	s31 =	sadd.s32 $0x1480, s30;
	[sflag:s24] =	ssyncadd.s32 $0xFFFFC180;
	(pc) =	sbr.rel @p1 .LBB2_4-.Ltmp1, $4  }
0x81: {  	[spmem:s2] =	stream.indirect.scatter.add.f32 [tilespmem:s19], [sflag:$0x3], $0x80, s31, s16, $0xb8;
	[tilespmem:$0x1E800] =	vst v63  }
0x82: {  	_ =	swait.ge [sflag:s14], $0x3E80  }
0x83: {  	[sflag:s14] =	ssyncset.done $0x0  }
0x84: {  	s30 =	sadd.s32 $0x180, s30;
	[sflag:s14] =	ssyncadd.s32 $0xFFFFC180  }
0x85: {  	[tilespmem:s19], [sflag:$0x2] =	stream.indirect.gather [hbm4b:s1+s16], $0x80, s30, s16, $0xb8;
	[tilespmem:$0x1E800] =	vst v63  }
0x86: {  	_ =	swait.ge [sflag:s23], $0x3E80  }
0x87: {  	[sflag:s23] =	ssyncset.done $0x0  }
0x88: {  	[sflag:s23] =	ssyncadd.s32 $0xFFFFC180  }
0x89: {  	[spmem:s2] =	stream.indirect.scatter.add.f32 [tilespmem:s17], [sflag:$0x3], $0x80, s25, s16, $0xb8;
	[tilespmem:$0x1E800] =	vst v63  }
0x8a: {  	_ =	swait.ge [sflag:s14], $0x3E80  }
0x8b: {  	[sflag:s14] =	ssyncset.done $0x0  }
0x8c: {  	[sflag:s14] =	ssyncadd.s32 $0xFFFFC180  }
0x8d: {  	_ =	swait.ge [sflag:s24], $0x3E80  }
0x8e: {  	[sflag:s24] =	ssyncset.done $0x0  }
0x8f: {  	[sflag:s24] =	ssyncadd.s32 $0xFFFFC180  }
0x90: {  	[spmem:s2] =	stream.indirect.scatter.add.f32 [tilespmem:s19], [sflag:$0x3], $0x80, s26, s16, $0xb8;
	[tilespmem:$0x1E800] =	vst v63  }
0x91: {  	_ =	swait.ge [sflag:s14], $0x3E80  }
0x92: {  	s29 =	sshll.u32 s3, $0x6;
	s28 =	sadd.s32 $0x1, s28;
	[sflag:s14] =	ssyncset.done $0x0  }
0x93: {  	s31 =	sshrl.u32 s7, $0x3;
	p1 =	sne.s32 s28, s13;
	[sflag:s14] =	ssyncadd.s32 $0xFFFFC180  }
.Ltmp2:
0x94: {  	s29 =	sor.u32 $0x1C03, s29;
	[bflag:$0x0] =	sbarrier.arrive $0xFFFF;
	(pc) =	sbr.rel @p1 .LBB2_1-.Ltmp2, $4  }
0x95: {  	[hbm:s12], [sflag:s29] =	dma.local [spmem:s31], $0x2800  }
0x96: {  	_ =	swait.ge [sflag:s14], $0x2800  }
0x97: {  	[sflag:s14] =	ssyncset.done $0x0  }
0x98: {  	[sflag:s14] =	ssyncadd.s32 $0xFFFFD800  }
0x99: {  	_ =	sfence.sel $0x180000  }
0x9a: {  	[bflag:$0x0] =	sbarrier.arrive $0xFFFF  }
0x9b: {  	p0 =	sne.s32 s3, $0x0;
	_ =	strace $0x90000047  }
0x9c: {  	s0 =	sadd.s32 @!p0 $0x100000, s0;
	[bflag:$0x2] =	sbarrier.arrive $0xFFFF  }
0x9d: {  	[sflag:s0] =	ssyncadd.tile.s32 @!p0 $0x1;
	_ =	shalt  }
.Lfunc_end2:
_tile_overlayer_lowered:
.L_overlay_start_2:
0x9e: {  	(tag) =	ssettag $0x2  }
0x9f: {  	s0 =	rddreg [dreg:$0x0];
	s2 =	stileid.u32  }
0xa0: {  	s1 =	rddreg [dreg:$0x1];
	p0 =	sne.s32 s2, $0x0  }
0xa1: {  	s3 =	rddreg [dreg:$0x2];
	[bflag:$0x3] =	sbarrier.arrive $0xFFFF;
	s2 =	simm.s32 @!p0 $0x1C03  }
0xa2: {  	[timem:s3], [sflag:s2] =	dma.local @!p0 [hbm:s0], s1  }
0xa3: {  	s0 =	simm.s32 @!p0 $0x3  }
0xa4: {  	_ =	swait.ge @!p0 [sflag:s0], s1  }
0xa5: {  	s1 =	ssub.s32 @!p0 $0x0, s1;
	[sflag:s0] =	ssyncset.done @!p0 $0x0  }
0xa6: {  	[sflag:s0] =	ssyncadd.s32 @!p0 s1  }
0xa7: {  	[bflag:$0x3] =	sbarrier.arrive $0xFFFF  }
0xa8: {  	_ =	shalt  }

// kernel: kernel.9.cloned.1.call-start
scs
__scs_entry_jumppad:
0x0: {  	(pc) =	sbr.rel $0x88, $3  }
0x1: {  	(tag) =	ssettag $0x0;
	lr =	simm.s32 $0x1  }
0x2: {  	[smem:$0x3F95] =	sst lr;
	_ =	strace $0xD0000000  }
0x3: {  	_ = 	snop  }
0x4: {  	_ = 	snop  }
0x5: {  	_ = 	snop  }
0x6: {  	_ = 	snop  }
0x7: {  	_ = 	snop  }
__scs_overlays_trampoline_lowered:
0x8: {  	[smem:$0x3FA4] =	sst s0  }
0x9: {  	[smem:$0x3FA5] =	sst s1  }
0xa: {  	[smem:$0x3FA6] =	sst s2  }
0xb: {  	[smem:$0x3FA7] =	sst s3  }
0xc: {  	[smem:$0x3FA8] =	sst s4  }
0xd: {  	[smem:$0x3FA9] =	sst s5  }
0xe: {  	[smem:$0x3FAA] =	sst s6  }
0xf: {  	[smem:$0x3FAB] =	sst s7  }
0x10: {  	[smem:$0x3FAC] =	sst s8  }
0x11: {  	[smem:$0x3FAD] =	sst s9;
	s0 =	simm.s32 @!p0 $0x0  }
0x12: {  	s1 =	sld [smem:$0x3F93];
	s0 =	simm.s32 @p0 $0x1  }
0x13: {  	[smem:$0x3FAE] =	sst s0;
	s0 =	simm.s32 @!p1 $0x0  }
0x14: {  	s2 =	sld [smem:$0x3F92];
	s0 =	simm.s32 @p1 $0x1  }
0x15: {  	[smem:$0x3FAF] =	sst s0;
	s0 =	simm.s32 @!p2 $0x0  }
0x16: {  	s3 =	sld [smem:$0x3FDB];
	s0 =	simm.s32 @p2 $0x1  }
0x17: {  	s4 =	simm.s32 $0x1BF5;
	[smem:$0x3FB1] =	sst s0  }
0x18: {  	s0 =	sld [smem:$0x3F94];
	_ =	swait.ge [sflag:s4], $0x0  }
0x19: {  	s7 =	sld [smem:$0x3F95]  }
0x1a: {  	s8 =	sadd.s32 $0xFFFFE003, lr  }
0x1b: {  	s9 =	sadd.s32 $0xFFFFFEF7, lr;
	s5 =	simm.s32 $0xFFFFFFFF;
	p2 =	slt.u32 s8, $0xFFFFF086  }
0x1c: {  	p1 =	slt.u32 s9, $0xF7A;
	s5 =	simm.s32 @!p2 $0x0  }
0x1d: {  	s5 =	simm.s32 @p1 $0x1;
	p0 =	seq.s32 s7, s2  }
0x1e: {  	s7 =	smul.u32 @!p0 $0xF7A, s2;
	p2 =	seq.s32 @!p0 s5, $0x0  }
0x1f: {  	s9 =	smul.u32 $0xF7A, s1;
	s8 =	simm.s32 @!p0 $0x1BF5;
	p2 =	por !p2, p0  }
0x20: {  	[sflag:s8] =	ssyncset.s32 @!p0 $0xFFFFF086;
	s6 =	sadd.s32 @!p0 s3, s7;
	s7 =	simm.s32 @!p0 $0x108  }
0x21: {  	s3 =	sadd.s32 s3, s9;
	s6 =	sadd.s32 @!p0 $0x88, s6;
	s7 =	simm.s32 @p2 $0x1082  }
0x22: {  	[simem:s7], [sflag:s8] =	dma.local @!p0 [hbm:s6], $0xF7A  }
0x23: {  	s9 =	sor.u32 $0xD0000000, s2;
	s6 =	simm.s32 $0x108;
	_ =	swait.ge @!p0 [sflag:s8], $0x0  }
0x24: {  	s3 =	sadd.s32 $0x88, s3;
	s6 =	simm.s32 @!p1 $0x1082;
	[sflag:s4] =	ssyncset.s32 $0xFFFFF086  }
0x25: {  	[simem:s6], [sflag:s4] =	dma.local [hbm:s3], $0xF7A  }
0x26: {  	[smem:$0x3F95] =	sst s1;
	(tag) =	ssettag s2;
	_ =	strace s9  }
0x27: {  	s1 =	sld [smem:$0x3FA5]  }
0x28: {  	s2 =	sld [smem:$0x3FA6]  }
0x29: {  	s4 =	sld [smem:$0x3FA8]  }
0x2a: {  	p0 =	seq.s32 s5, $0x0;
	s5 =	sld [smem:$0x3FA9]  }
0x2b: {  	s6 =	sld [smem:$0x3FAA]  }
0x2c: {  	s7 =	sld [smem:$0x3FAB]  }
0x2d: {  	s3 =	simm.s32 $0x108;
	s8 =	sld [smem:$0x3FAC]  }
0x2e: {  	s3 =	simm.s32 @!p0 $0x1082;
	s9 =	sld [smem:$0x3FAD]  }
0x2f: {  	lr =	sadd.s32 s0, s3;
	s0 =	sld [smem:$0x3FA4]  }
0x30: {  	s3 =	sld [smem:$0x3FA7]  }
0x31: {  	[smem:$0x3FB0] =	sst s10  }
0x32: {  	s10 =	sld [smem:$0x3FAE];
	_ =	sdelay $0x3  }
0x33: {  	p0 =	seq.s32 s10, $0x1;
	s10 =	sld [smem:$0x3FB0];
	_ =	sdelay $0x3  }
0x34: {  	[smem:$0x3FB0] =	sst s10  }
0x35: {  	s10 =	sld [smem:$0x3FAF];
	_ =	sdelay $0x3  }
0x36: {  	p1 =	seq.s32 s10, $0x1;
	s10 =	sld [smem:$0x3FB0];
	_ =	sdelay $0x3  }
0x37: {  	[smem:$0x3FB0] =	sst s10  }
0x38: {  	s10 =	sld [smem:$0x3FB1]  }
0x39: {  	_ = 	snop;
	(pc) =	sbr.ind lr, $3  }
0x3a: {  	_ = 	snop  }
0x3b: {  	_ = 	snop  }
0x3c: {  	p2 =	seq.s32 s10, $0x1;
	s10 =	sld [smem:$0x3FB0]  }
0x3d: {  	_ =	shalt  }
0x3e: {  	_ =	shalt  }
0x3f: {  	_ =	shalt  }
0x40: {  	_ =	shalt  }
0x41: {  	_ =	shalt  }
0x42: {  	_ =	shalt  }
0x43: {  	_ =	shalt  }
0x44: {  	_ =	shalt  }
0x45: {  	_ =	shalt  }
0x46: {  	_ =	shalt  }
0x47: {  	_ =	shalt  }
0x48: {  	_ =	shalt  }
0x49: {  	_ =	shalt  }
0x4a: {  	_ =	shalt  }
0x4b: {  	_ =	shalt  }
0x4c: {  	_ =	shalt  }
0x4d: {  	_ =	shalt  }
0x4e: {  	_ =	shalt  }
0x4f: {  	_ =	shalt  }
0x50: {  	_ =	shalt  }
0x51: {  	_ =	shalt  }
0x52: {  	_ =	shalt  }
0x53: {  	_ =	shalt  }
0x54: {  	_ =	shalt  }
0x55: {  	_ =	shalt  }
0x56: {  	_ =	shalt  }
0x57: {  	_ =	shalt  }
0x58: {  	_ =	shalt  }
0x59: {  	_ =	shalt  }
0x5a: {  	_ =	shalt  }
0x5b: {  	_ =	shalt  }
0x5c: {  	_ =	shalt  }
0x5d: {  	_ =	shalt  }
0x5e: {  	_ =	shalt  }
0x5f: {  	_ =	shalt  }
0x60: {  	_ =	shalt  }
0x61: {  	_ =	shalt  }
0x62: {  	_ =	shalt  }
0x63: {  	_ =	shalt  }
0x64: {  	_ =	shalt  }
0x65: {  	_ =	shalt  }
0x66: {  	_ =	shalt  }
0x67: {  	_ =	shalt  }
0x68: {  	_ =	shalt  }
0x69: {  	_ =	shalt  }
0x6a: {  	_ =	shalt  }
0x6b: {  	_ =	shalt  }
0x6c: {  	_ =	shalt  }
0x6d: {  	_ =	shalt  }
0x6e: {  	_ =	shalt  }
0x6f: {  	_ =	shalt  }
0x70: {  	_ =	shalt  }
0x71: {  	_ =	shalt  }
0x72: {  	_ =	shalt  }
0x73: {  	_ =	shalt  }
0x74: {  	_ =	shalt  }
0x75: {  	_ =	shalt  }
0x76: {  	_ =	shalt  }
0x77: {  	_ =	shalt  }
0x78: {  	_ =	shalt  }
0x79: {  	_ =	shalt  }
0x7a: {  	_ =	shalt  }
0x7b: {  	_ =	shalt  }
0x7c: {  	_ =	shalt  }
0x7d: {  	_ =	shalt  }
0x7e: {  	_ =	shalt  }
0x7f: {  	_ =	shalt  }
0x80: {  	_ =	shalt  }
0x81: {  	_ =	shalt  }
0x82: {  	_ =	shalt  }
0x83: {  	_ =	shalt  }
0x84: {  	_ =	shalt  }
0x85: {  	_ =	shalt  }
0x86: {  	_ =	shalt  }
0x87: {  	_ =	shalt  }
.Lfunc_end0:
.L_simem_size_0:
called_computation.1_lowered:
.L_overlay_start_0:
0x88: {  	s2 =	sld [smem:$0x3FD9]  }
0x89: {  	s3 =	sld [smem:$0x3FFE];
	_ =	sdelay $0x1  }
0x8a: {  	s1 =	srdreg.scid  }
0x8b: {  	s0 =	sand.u32 $0x1, s1  }
0x8c: {  	s17 =	sshll.u32 s0, $0xA;
	s2 =	sadd.s32 s3, s2  }
0x8d: {  	s2 =	sadd.s32 s2, s17  }
0x8e: {  	[smem:$0x3FBC] =	sst s2  }
0x8f: {  	_ = 	snop  }
0x90: {  	s2 =	sld [smem:$0x3FD0];
	(tm) =	ssettm $0x1  }
0x91: {  	s18 =	sld [smem:$0x3FFB];
	_ =	sdelay $0x3  }
0x92: {  	_ =	strace s18  }
0x93: {  	s3 =	sld [smem:$0x3FFC];
	_ =	sdelay $0x3  }
0x94: {  	_ =	strace s3  }
0x95: {  	s3 =	sld [smem:$0x3FFD];
	_ =	sdelay $0x3  }
0x96: {  	_ =	strace s3  }
0x97: {  	_ =	strace $0x8FFFFFFF  }
0x98: {  	s19 =	sld [smem:$0x3FDB];
	_ =	sdelay $0x1  }
0x99: {  	s4 =	simm.s32 $_scs_section_size  }
0x9a: {  	s5 =	simm.s32 $_size__tile_overlayer_lowered;
	s6 =	simm.s32 $_tile_overlayer_lowered  }
0x9b: {  	s22 =	simm.s32 $0x1BFF;
	s21 =	sshll.u32 s6, $0x1;
	s3 =	sadd.s32 s4, s19  }
0x9c: {  	s7 =	simm.s32 $0x0;
	s20 =	sshll.u32 s5, $0x1;
	s5 =	sadd.s32 s21, s3  }
0x9d: {  	[timem:s7], [sflag:s22] =	dma.local [hbm:s5], s20  }
0x9e: {  	_ =	swait.ge [sflag:s22], s20  }
0x9f: {  	s4 =	ssub.s32 $0x0, s20;
	[sflag:s22] =	ssyncset.done $0x0  }
0xa0: {  	[sflag:s22] =	ssyncadd.s32 s4;
	_ =	sdelay $0x1  }
0xa1: {  	s23 =	simm.s32 $0x1B8B  }
0xa2: {  	_ =	swait.ge [sflag:s23], $0x1  }
0xa3: {  	[sflag:s23] =	ssyncset.done $0x0  }
0xa4: {  	s25 =	simm.s32 $0x1B8E;
	s24 =	sld [smem:$0x3FFE];
	[sflag:s23] =	ssyncadd.s32 $0xFFFFFFFF  }
0xa5: {  	s26 =	simm.s32 $execute0_lowered;
	[smem:$0x3FD2] =	sst s25  }
0xa6: {  	s5 =	sshll.u32 s26, $0x1;
	_ =	strace $0x80000049;
	[dreg:$0x1] =	wrdreg $0xFFFFFFFF  }
0xa7: {  	s28 =	simm.s32 $_size_execute0_lowered;
	s3 =	sadd.s32 s3, s5;
	[dreg:$0x0] =	wrdreg $0x0  }
0xa8: {  	s5 =	sshll.u32 s28, $0x1;
	[dreg:$0x2] =	wrdreg s3  }
0xa9: {  	[dreg:$0x3] =	wrdreg s5  }
0xaa: {  	[dreg:$0x4] =	wrdreg $0xC0  }
0xab: {  	_ =	task [dreg:s7], $0x5FFFF  }
0xac: {  	[dreg:$0x1] =	wrdreg $0xFFFFFFFF  }
0xad: {  	[dreg:$0x0] =	wrdreg $0x60  }
0xae: {  	[dreg:$0x2] =	wrdreg s2  }
0xaf: {  	[dreg:$0x3] =	wrdreg s24  }
0xb0: {  	[dreg:$0x4] =	wrdreg $0xA8000  }
0xb1: {  	[dreg:$0x5] =	wrdreg $0x9  }
0xb2: {  	_ =	task.clear_ibuf [dreg:s7], $0x6FFFF;
	_ =	strace $0x90000049  }
0xb3: {  	s29 =	simm.s32 $0x9;
	_ =	strace $0x8000004B  }
0xb4: {  	_ =	swait.ge [sflag:s29], $0x1  }
0xb5: {  	[sflag:s29] =	ssyncadd.s32 $0xFFFFFFFF  }
0xb6: {  	_ =	strace $0x9000004B  }
0xb7: {  	_ =	sfence  }
0xb8: {  	s30 =	sld [smem:$0x0];
	_ =	sdelay $0x2  }
0xb9: {  	s31 =	sshll.u32 s1, $0xD;
	s1 =	sshrl.u32 s1, $0x2  }
0xba: {  	s3 =	sand.u32 $0x4000, s31;
	s1 =	sadd.s32 s1, s30  }
0xbb: {  	s0 =	sor.u32 s3, s0;
	s1 =	sshll.u32 s1, $0x11  }
0xbc: {  	s0 =	sor.u32 s1, s0  }
0xbd: {  	s0 =	sadd.s32 $0x8F2B, s0  }
0xbe: {  	[sflag:s0] =	ssyncadd.remote.s32 $0x1  }
0xbf: {  	_ =	sfence.sel $0xFFFF  }
0xc0: {  	[dreg:$0x0] =	wrdreg $0xFFFFFFFF;
	(pc) =	sbr.abs _section_cstart, $3  }
0xc1: {  	[dreg:$0x1] =	wrdreg $0xFFFFFFFF  }
0xc2: {  	_ =	task.clear_ibuf [dreg:s7], $0x2FFFF;
	_ =	strace $0x9FFFFFFF  }
0xc3: {  	(tm) =	ssettm $0x7FFFFFFF  }
tec
execute0_lowered:
.L_overlay_start_1:
0x0: {  	(tag) =	ssettag $0x1  }
0x1: {  	s10 =	rddreg [dreg:$0x0]  }
0x2: {  	s9 =	rddreg [dreg:$0x1]  }
0x3: {  	s1 =	rddreg [dreg:$0x2]  }
0x4: {  	s2 =	srdreg.scid;
	s0 =	rddreg [dreg:$0x3];
	s3 =	simm.s32 $0x0  }
0x5: {  	s16 =	simm.s32 $0x7D;
	s17 =	simm.s32 $0x2800;
	s18 =	simm.s32 $0x80  }
0x6: {  	s19 =	simm.s32 $0x6800;
	s23 =	simm.s32 $0x1;
	s24 =	simm.s32 $0x2  }
0x7: {  	s25 =	simm.s32 $0x2700;
	s4 =	sand.u32 $0x1, s2;
	s2 =	stileid.u32  }
0x8: {  	s28 =	simm.s32 $0x0;
	[smem:$0x7FF] =	sst s3;
	s5 =	smul.u32 $0x140000, s4  }
0x9: {  	s11 =	sadd.s32 $0x2400, s9;
	s20 =	sadd.s32 $0x12C000, s1;
	s6 =	smul.u32 $0x14000, s2  }
0xa: {  	s7 =	sshll.u32 s4, $0x4;
	_ =	strace $0x8000004A;
	s12 =	smul.u32 $0x50000, s2  }
0xb: {  	s26 =	ssub.s32 $0x2, s4;
	s4 =	sadd.s32 $0xC400, s9;
	s30 =	smul.u32 $0x2800, s2  }
0xc: {  	p0 =	seq.s32 s2, $0xF;
	s7 =	sor.u32 s2, s7;
	s8 =	sshrl.u32 s26, $0x1  }
0xd: {  	s21 =	sshll.u32 @!p0 s2, $0x6;
	s20 =	sshrl.u32 @p0 s20, $0x3;
	s5 =	sadd.s32 s6, s5  }
0xe: {  	s7 =	smul.u32 $0x2800, s7;
	s14 =	ssub.s32 s26, s8;
	s29 =	sshrl.u32 s12, $0x2  }
0xf: {  	s8 =	sadd.s32 s4, s30;
	s21 =	sor.u32 @!p0 $0x1C03, s21;
	s5 =	sshrl.u32 s5, $0x3  }
0x10: {  	s26 =	simm.s32 $0x2780;
	s13 =	sadd.s32 s5, s9;
	s15 =	sshrl.u32 s7, $0x3  }
0x11: {  	s7 =	sadd.s32 s29, s1;
	s9 =	sadd.s32 $0x31C00, s9;
	s5 =	sadd.s32 s10, s15  }
0x12: {  	s6 =	sadd.s32 s11, s15;
	s31 =	sadd.s32 $0x280, s15;
	s12 =	sadd.s32 $0x33600, s13  }
0x13: {  	s13 =	smax.u32 s14, $0x1;
	s14 =	simm.s32 $0x3;
	s15 =	simm.s32 $0x1400  }
0x14: {  	s22 =	sshrl.u32 @!p0 s7, $0x3;
	s10 =	sadd.s32 s10, s31;
	s11 =	sadd.s32 s11, s31  }
.LBB2_1:
0x15: {  	[tilespmem:s3], [sflag:$0x3] =	stream.linear.gather [hbm4b:s5+s3], $0x1400, $0x38;
	[tilespmem:$0x1E800] =	vst v63  }
0x16: {  	_ =	swait.ge [sflag:s14], $0x1400  }
0x17: {  	[sflag:s14] =	ssyncset.done $0x0  }
0x18: {  	[sflag:s14] =	ssyncadd.s32 $0xFFFFEC00  }
0x19: {  	[tilespmem:s15], [sflag:$0x3] =	stream.linear.gather [hbm4b:s6+s3], $0x1400, $0x38;
	[tilespmem:$0x1E800] =	vst v63  }
0x1a: {  	_ =	swait.ge [sflag:s14], $0x1400  }
0x1b: {  	[sflag:s14] =	ssyncset.done $0x0  }
0x1c: {  	[sflag:s14] =	ssyncadd.s32 $0xFFFFEC00  }
0x1d: {  	[tilespmem:s17], [sflag:$0x1] =	stream.indirect.gather [hbm4b:s4+s16], $0x80, s3, s16, $0xb8;
	[tilespmem:$0x1E800] =	vst v63  }
0x1e: {  	s29 =	simm.s32 @p0 $0x1FC3  }
0x1f: {  	[tilespmem:s19], [sflag:$0x2] =	stream.indirect.gather [hbm4b:s4+s16], $0x80, s18, s16, $0xb8;
	[tilespmem:$0x1E800] =	vst v63  }
0x20: {  	[spmem:s20], [sflag:s29] =	dma.local @p0 [hbm:s9], $0x1900  }
0x21: {  	s29 =	simm.s32 @p0 $0x3  }
0x22: {  	_ =	swait.ge @p0 [sflag:s29], $0x1900  }
0x23: {  	[sflag:s29] =	ssyncset.done @p0 $0x0  }
0x24: {  	[sflag:s29] =	ssyncadd.s32 @p0 $0xFFFFE700;
	s29 =	simm.s32 @!p0 $0x3  }
0x25: {  	[spmem:s22], [sflag:s21] =	dma.local @!p0 [hbm:s8], $0x2800  }
0x26: {  	_ =	swait.ge @!p0 [sflag:s29], $0x2800  }
0x27: {  	[sflag:s29] =	ssyncset.done @!p0 $0x0  }
0x28: {  	[sflag:s29] =	ssyncadd.s32 @!p0 $0xFFFFD800  }
0x29: {  	[bflag:$0x0] =	sbarrier.arrive $0xFFFF  }
0x2a: {  	_ =	swait.ge [sflag:s23], $0x3E80  }
0x2b: {  	[sflag:s23] =	ssyncset.done $0x0  }
0x2c: {  	s29 =	simm.s32 $0x1400;
	[sflag:s23] =	ssyncadd.s32 $0xFFFFC180  }
0x2d: {  	[spmem:s1] =	stream.indirect.scatter.add.f32 [tilespmem:s17], [sflag:$0x3], $0x80, s29, s16, $0xb8;
	[tilespmem:$0x1E800] =	vst v63  }
0x2e: {  	_ =	swait.ge [sflag:s14], $0x3E80  }
0x2f: {  	[sflag:s14] =	ssyncset.done $0x0  }
0x30: {  	s29 =	simm.s32 $0x100;
	[sflag:s14] =	ssyncadd.s32 $0xFFFFC180  }
0x31: {  	[tilespmem:s17], [sflag:$0x1] =	stream.indirect.gather [hbm4b:s4+s16], $0x80, s29, s16, $0xb8;
	[tilespmem:$0x1E800] =	vst v63  }
0x32: {  	_ =	swait.ge [sflag:s24], $0x3E80  }
0x33: {  	[sflag:s24] =	ssyncset.done $0x0  }
0x34: {  	s29 =	simm.s32 $0x1480;
	[sflag:s24] =	ssyncadd.s32 $0xFFFFC180  }
0x35: {  	[spmem:s1] =	stream.indirect.scatter.add.f32 [tilespmem:s19], [sflag:$0x3], $0x80, s29, s16, $0xb8;
	[tilespmem:$0x1E800] =	vst v63  }
0x36: {  	_ =	swait.ge [sflag:s14], $0x3E80  }
0x37: {  	[sflag:s14] =	ssyncset.done $0x0  }
0x38: {  	s30 =	simm.s32 $0x180;
	s29 =	simm.s32 $0x400;
	[sflag:s14] =	ssyncadd.s32 $0xFFFFC180  }
.LBB2_2:
0x39: {  	[tilespmem:s19], [sflag:$0x2] =	stream.indirect.gather [hbm4b:s4+s16], $0x80, s30, s16, $0xb8;
	[tilespmem:$0x1E800] =	vst v63  }
0x3a: {  	s30 =	smov.u32 s29  }
0x3b: {  	p1 =	sne.s32 s29, $0x4800;
	s29 =	sadd.s32 $0x400, s29;
	_ =	swait.ge [sflag:s23], $0x3E80  }
0x3c: {  	s30 =	sshra.s32 s30, $0x2;
	[sflag:s23] =	ssyncset.done $0x0  }
0x3d: {  	s31 =	sadd.s32 $0x1400, s30;
	[sflag:s23] =	ssyncadd.s32 $0xFFFFC180  }
0x3e: {  	[spmem:s1] =	stream.indirect.scatter.add.f32 [tilespmem:s17], [sflag:$0x3], $0x80, s31, s16, $0xb8;
	[tilespmem:$0x1E800] =	vst v63  }
0x3f: {  	_ =	swait.ge [sflag:s14], $0x3E80  }
0x40: {  	[sflag:s14] =	ssyncset.done $0x0  }
0x41: {  	s31 =	sadd.s32 $0x100, s30;
	[sflag:s14] =	ssyncadd.s32 $0xFFFFC180  }
0x42: {  	[tilespmem:s17], [sflag:$0x1] =	stream.indirect.gather [hbm4b:s4+s16], $0x80, s31, s16, $0xb8;
	[tilespmem:$0x1E800] =	vst v63  }
0x43: {  	_ =	swait.ge [sflag:s24], $0x3E80  }
0x44: {  	[sflag:s24] =	ssyncset.done $0x0  }
.Ltmp0:
0x45: {  	s31 =	sadd.s32 $0x1480, s30;
	[sflag:s24] =	ssyncadd.s32 $0xFFFFC180;
	(pc) =	sbr.rel @p1 .LBB2_2-.Ltmp0, $4  }
0x46: {  	[spmem:s1] =	stream.indirect.scatter.add.f32 [tilespmem:s19], [sflag:$0x3], $0x80, s31, s16, $0xb8;
	[tilespmem:$0x1E800] =	vst v63  }
0x47: {  	_ =	swait.ge [sflag:s14], $0x3E80  }
0x48: {  	[sflag:s14] =	ssyncset.done $0x0  }
0x49: {  	s30 =	sadd.s32 $0x180, s30;
	[sflag:s14] =	ssyncadd.s32 $0xFFFFC180  }
0x4a: {  	[tilespmem:s19], [sflag:$0x2] =	stream.indirect.gather [hbm4b:s4+s16], $0x80, s30, s16, $0xb8;
	[tilespmem:$0x1E800] =	vst v63  }
0x4b: {  	_ =	swait.ge [sflag:s23], $0x3E80  }
0x4c: {  	[sflag:s23] =	ssyncset.done $0x0  }
0x4d: {  	[sflag:s23] =	ssyncadd.s32 $0xFFFFC180  }
0x4e: {  	[spmem:s1] =	stream.indirect.scatter.add.f32 [tilespmem:s17], [sflag:$0x3], $0x80, s25, s16, $0xb8;
	[tilespmem:$0x1E800] =	vst v63  }
0x4f: {  	_ =	swait.ge [sflag:s14], $0x3E80  }
0x50: {  	[sflag:s14] =	ssyncset.done $0x0  }
0x51: {  	[sflag:s14] =	ssyncadd.s32 $0xFFFFC180  }
0x52: {  	_ =	swait.ge [sflag:s24], $0x3E80  }
0x53: {  	[sflag:s24] =	ssyncset.done $0x0  }
0x54: {  	[sflag:s24] =	ssyncadd.s32 $0xFFFFC180  }
0x55: {  	[spmem:s1] =	stream.indirect.scatter.add.f32 [tilespmem:s19], [sflag:$0x3], $0x80, s26, s16, $0xb8;
	[tilespmem:$0x1E800] =	vst v63  }
0x56: {  	_ =	swait.ge [sflag:s14], $0x3E80  }
0x57: {  	[sflag:s14] =	ssyncset.done $0x0  }
0x58: {  	s29 =	simm.s32 $0x0;
	[sflag:s14] =	ssyncadd.s32 $0xFFFFC180  }
0x59: {  	[tilespmem:s29], [sflag:$0x3] =	stream.linear.gather [hbm4b:s10+s29], $0x1400, $0x38;
	[tilespmem:$0x1E800] =	vst v63  }
0x5a: {  	_ =	swait.ge [sflag:s14], $0x1400  }
0x5b: {  	[sflag:s14] =	ssyncset.done $0x0  }
0x5c: {  	[sflag:s14] =	ssyncadd.s32 $0xFFFFEC00  }
0x5d: {  	[tilespmem:s15], [sflag:$0x3] =	stream.linear.gather [hbm4b:s11+s29], $0x1400, $0x38;
	[tilespmem:$0x1E800] =	vst v63  }
0x5e: {  	_ =	swait.ge [sflag:s14], $0x1400  }
0x5f: {  	[sflag:s14] =	ssyncset.done $0x0  }
0x60: {  	[sflag:s14] =	ssyncadd.s32 $0xFFFFEC00  }
0x61: {  	[tilespmem:s17], [sflag:$0x1] =	stream.indirect.gather [hbm4b:s4+s16], $0x80, s29, s16, $0xb8;
	[tilespmem:$0x1E800] =	vst v63  }
0x62: {  	_ = 	snop  }
0x63: {  	[tilespmem:s19], [sflag:$0x2] =	stream.indirect.gather [hbm4b:s4+s16], $0x80, s18, s16, $0xb8;
	[tilespmem:$0x1E800] =	vst v63  }
0x64: {  	_ =	swait.ge [sflag:s23], $0x3E80  }
0x65: {  	[sflag:s23] =	ssyncset.done $0x0  }
0x66: {  	s29 =	simm.s32 $0x1400;
	[sflag:s23] =	ssyncadd.s32 $0xFFFFC180  }
0x67: {  	[spmem:s1] =	stream.indirect.scatter.add.f32 [tilespmem:s17], [sflag:$0x3], $0x80, s29, s16, $0xb8;
	[tilespmem:$0x1E800] =	vst v63  }
0x68: {  	_ =	swait.ge [sflag:s14], $0x3E80  }
0x69: {  	[sflag:s14] =	ssyncset.done $0x0  }
0x6a: {  	s29 =	simm.s32 $0x100;
	[sflag:s14] =	ssyncadd.s32 $0xFFFFC180  }
0x6b: {  	[tilespmem:s17], [sflag:$0x1] =	stream.indirect.gather [hbm4b:s4+s16], $0x80, s29, s16, $0xb8;
	[tilespmem:$0x1E800] =	vst v63  }
0x6c: {  	_ =	swait.ge [sflag:s24], $0x3E80  }
0x6d: {  	[sflag:s24] =	ssyncset.done $0x0  }
0x6e: {  	s29 =	simm.s32 $0x1480;
	[sflag:s24] =	ssyncadd.s32 $0xFFFFC180  }
0x6f: {  	[spmem:s1] =	stream.indirect.scatter.add.f32 [tilespmem:s19], [sflag:$0x3], $0x80, s29, s16, $0xb8;
	[tilespmem:$0x1E800] =	vst v63  }
0x70: {  	_ =	swait.ge [sflag:s14], $0x3E80  }
0x71: {  	[sflag:s14] =	ssyncset.done $0x0  }
0x72: {  	s30 =	simm.s32 $0x180;
	s29 =	simm.s32 $0x400;
	[sflag:s14] =	ssyncadd.s32 $0xFFFFC180  }
.LBB2_4:
0x73: {  	[tilespmem:s19], [sflag:$0x2] =	stream.indirect.gather [hbm4b:s4+s16], $0x80, s30, s16, $0xb8;
	[tilespmem:$0x1E800] =	vst v63  }
0x74: {  	s30 =	smov.u32 s29  }
0x75: {  	p1 =	sne.s32 s29, $0x4800;
	s29 =	sadd.s32 $0x400, s29;
	_ =	swait.ge [sflag:s23], $0x3E80  }
0x76: {  	s30 =	sshra.s32 s30, $0x2;
	[sflag:s23] =	ssyncset.done $0x0  }
0x77: {  	s31 =	sadd.s32 $0x1400, s30;
	[sflag:s23] =	ssyncadd.s32 $0xFFFFC180  }
0x78: {  	[spmem:s1] =	stream.indirect.scatter.add.f32 [tilespmem:s17], [sflag:$0x3], $0x80, s31, s16, $0xb8;
	[tilespmem:$0x1E800] =	vst v63  }
0x79: {  	_ =	swait.ge [sflag:s14], $0x3E80  }
0x7a: {  	[sflag:s14] =	ssyncset.done $0x0  }
0x7b: {  	s31 =	sadd.s32 $0x100, s30;
	[sflag:s14] =	ssyncadd.s32 $0xFFFFC180  }
0x7c: {  	[tilespmem:s17], [sflag:$0x1] =	stream.indirect.gather [hbm4b:s4+s16], $0x80, s31, s16, $0xb8;
	[tilespmem:$0x1E800] =	vst v63  }
0x7d: {  	_ =	swait.ge [sflag:s24], $0x3E80  }
0x7e: {  	[sflag:s24] =	ssyncset.done $0x0  }
.Ltmp1:
0x7f: {  	s31 =	sadd.s32 $0x1480, s30;
	[sflag:s24] =	ssyncadd.s32 $0xFFFFC180;
	(pc) =	sbr.rel @p1 .LBB2_4-.Ltmp1, $4  }
0x80: {  	[spmem:s1] =	stream.indirect.scatter.add.f32 [tilespmem:s19], [sflag:$0x3], $0x80, s31, s16, $0xb8;
	[tilespmem:$0x1E800] =	vst v63  }
0x81: {  	_ =	swait.ge [sflag:s14], $0x3E80  }
0x82: {  	[sflag:s14] =	ssyncset.done $0x0  }
0x83: {  	s30 =	sadd.s32 $0x180, s30;
	[sflag:s14] =	ssyncadd.s32 $0xFFFFC180  }
0x84: {  	[tilespmem:s19], [sflag:$0x2] =	stream.indirect.gather [hbm4b:s4+s16], $0x80, s30, s16, $0xb8;
	[tilespmem:$0x1E800] =	vst v63  }
0x85: {  	_ =	swait.ge [sflag:s23], $0x3E80  }
0x86: {  	[sflag:s23] =	ssyncset.done $0x0  }
0x87: {  	[sflag:s23] =	ssyncadd.s32 $0xFFFFC180  }
0x88: {  	[spmem:s1] =	stream.indirect.scatter.add.f32 [tilespmem:s17], [sflag:$0x3], $0x80, s25, s16, $0xb8;
	[tilespmem:$0x1E800] =	vst v63  }
0x89: {  	_ =	swait.ge [sflag:s14], $0x3E80  }
0x8a: {  	[sflag:s14] =	ssyncset.done $0x0  }
0x8b: {  	[sflag:s14] =	ssyncadd.s32 $0xFFFFC180  }
0x8c: {  	_ =	swait.ge [sflag:s24], $0x3E80  }
0x8d: {  	[sflag:s24] =	ssyncset.done $0x0  }
0x8e: {  	[sflag:s24] =	ssyncadd.s32 $0xFFFFC180  }
0x8f: {  	[spmem:s1] =	stream.indirect.scatter.add.f32 [tilespmem:s19], [sflag:$0x3], $0x80, s26, s16, $0xb8;
	[tilespmem:$0x1E800] =	vst v63  }
0x90: {  	_ =	swait.ge [sflag:s14], $0x3E80  }
0x91: {  	s29 =	sshll.u32 s2, $0x6;
	s28 =	sadd.s32 $0x1, s28;
	[sflag:s14] =	ssyncset.done $0x0  }
0x92: {  	s31 =	sshrl.u32 s7, $0x3;
	p1 =	sne.s32 s28, s13;
	[sflag:s14] =	ssyncadd.s32 $0xFFFFC180  }
.Ltmp2:
0x93: {  	s29 =	sor.u32 $0x1C03, s29;
	[bflag:$0x0] =	sbarrier.arrive $0xFFFF;
	(pc) =	sbr.rel @p1 .LBB2_1-.Ltmp2, $4  }
0x94: {  	[hbm:s12], [sflag:s29] =	dma.local [spmem:s31], $0x2800  }
0x95: {  	_ =	swait.ge [sflag:s14], $0x2800  }
0x96: {  	[sflag:s14] =	ssyncset.done $0x0  }
0x97: {  	[sflag:s14] =	ssyncadd.s32 $0xFFFFD800  }
0x98: {  	_ =	sfence.sel $0x180000  }
0x99: {  	[bflag:$0x0] =	sbarrier.arrive $0xFFFF  }
0x9a: {  	p0 =	sne.s32 s2, $0x0;
	_ =	strace $0x9000004A  }
0x9b: {  	s0 =	sadd.s32 @!p0 $0x100000, s0;
	[bflag:$0x2] =	sbarrier.arrive $0xFFFF  }
0x9c: {  	[sflag:s0] =	ssyncadd.tile.s32 @!p0 $0x1;
	_ =	shalt  }
.Lfunc_end2:
_tile_overlayer_lowered:
.L_overlay_start_2:
0x9d: {  	(tag) =	ssettag $0x2  }
0x9e: {  	s0 =	rddreg [dreg:$0x0];
	s2 =	stileid.u32  }
0x9f: {  	s1 =	rddreg [dreg:$0x1];
	p0 =	sne.s32 s2, $0x0  }
0xa0: {  	s3 =	rddreg [dreg:$0x2];
	[bflag:$0x3] =	sbarrier.arrive $0xFFFF;
	s2 =	simm.s32 @!p0 $0x1C03  }
0xa1: {  	[timem:s3], [sflag:s2] =	dma.local @!p0 [hbm:s0], s1  }
0xa2: {  	s0 =	simm.s32 @!p0 $0x3  }
0xa3: {  	_ =	swait.ge @!p0 [sflag:s0], s1  }
0xa4: {  	s1 =	ssub.s32 @!p0 $0x0, s1;
	[sflag:s0] =	ssyncset.done @!p0 $0x0  }
0xa5: {  	[sflag:s0] =	ssyncadd.s32 @!p0 s1  }
0xa6: {  	[bflag:$0x3] =	sbarrier.arrive $0xFFFF  }
0xa7: {  	_ =	shalt  }

</sc_bundles>
